<compile_context>
chip_gen: v7x
topology: tpu7x:2x2x1
jax: 0.10.2.dev20260603
libtpu: 0.0.44.dev20260713+nightly
codegen_flags: <defaults>
</compile_context>

<pallas_src>
import functools

import jax
import jax.numpy as jnp
from jax import lax
from jax.experimental import pallas as pl
from jax.experimental.pallas import tpu as pltpu
from jax.experimental.pallas import tpu_sc as plsc

D_OUT = 128
D_IN = 64
K = 1024
N = 4096
NC = 2
NS = 16
NW = NC * NS
S_PER = N // NW
R = 2 * D_IN


def _table_body(c_ref, k_ref, t_ref):
    c = c_ref[...]
    kn = k_ref[...]
    h = kn[:, 1:] - kn[:, :-1]
    inv_h = 1.0 / (h + 1e-12)
    delta = (c[:, 1:] - c[:, :-1]) * inv_h
    h0 = h[:, :-1]
    h1 = h[:, 1:]
    w1 = 2.0 * h1 + h0
    w2 = h1 + 2.0 * h0
    delta0 = delta[:, :-1]
    delta1 = delta[:, 1:]
    same_sign = delta0 * delta1 > 0
    denom = w1 / (delta0 + 1e-12) + w2 / (delta1 + 1e-12)
    d_int = (w1 + w2) / (denom + 1e-12)
    d_mid = jnp.where(same_sign, d_int, jnp.zeros_like(d_int))
    ha = h[:, 0:1]
    hb = h[:, 1:2]
    hy = h[:, K - 2:K - 1]
    hz = h[:, K - 3:K - 2]
    dA = delta[:, 0:1]
    dB = delta[:, 1:2]
    dY = delta[:, K - 2:K - 1]
    dZ = delta[:, K - 3:K - 2]
    d_first = ((2.0 * ha + hb) * dA - ha * dB) / (ha + hb + 1e-12)
    d_last = ((2.0 * hy + hz) * dY - hy * dZ) / (hy + hz + 1e-12)

    def _limit(di, de):
        di = jnp.where(di * de <= 0, jnp.zeros_like(di), di)
        return jnp.where(jnp.abs(di) > 3.0 * jnp.abs(de), 3.0 * de, di)

    d_first = _limit(d_first, dA)
    d_last = _limit(d_last, dY)
    slopes = jnp.concatenate([d_first, d_mid, d_last], axis=1)

    def _pack2(a, b):
        ia = lax.bitcast_convert_type(a, jnp.int32)
        ib = lax.bitcast_convert_type(b, jnp.int32)
        ra = ia + 0x7FFF + ((ia >> 16) & 1)
        rb = ib + 0x7FFF + ((ib >> 16) & 1)
        lo = lax.shift_right_logical(ra, 16)
        hi = rb & jnp.int32(-65536)
        return lo | hi

    pc = _pack2(c[:64, :], c[64:, :])
    ps = _pack2(slopes[:64, :], slopes[64:, :])
    t_ref[...] = jnp.concatenate([pc.T, ps.T], axis=1)


def _weights_body(x_ref, idx_ref, wc_ref, ws_ref):
    x = x_ref[...]
    hs = jnp.float32(1.0 / (K - 1))
    xc = jnp.clip(x, 0.0, 1.0)
    idx = jnp.clip(jnp.floor(xc / hs).astype(jnp.int32), 0, K - 2)
    x0 = idx.astype(jnp.float32) * hs
    t = (xc - x0) / hs
    t2 = t * t
    t3 = t2 * t
    h00 = 2.0 * t3 - 3.0 * t2 + 1.0
    h10 = t3 - 2.0 * t2 + t
    h01 = -2.0 * t3 + 3.0 * t2
    h11 = t3 - t2
    base = lax.broadcasted_iota(jnp.int32, x.shape, 1) * K + idx
    idx_ref[...] = jnp.concatenate([base, base + 1], axis=1)
    wc_ref[...] = jnp.concatenate([h00, h01], axis=1)
    ws_ref[...] = jnp.concatenate([hs * h10, hs * h11], axis=1)


def _sc_body(t_hbm, idx_hbm, wc_hbm, ws_hbm, b_hbm, o_hbm,
             idx_v, wc_v, ws_v, rows0_v, rows1_v, bias_v, out_v,
             sem0, sem1, osem0, osem1):
    wid = lax.axis_index("s") * NC + lax.axis_index("c")
    base = wid * S_PER
    pltpu.sync_copy(b_hbm, bias_v)
    pltpu.sync_copy(idx_hbm.at[pl.ds(base, S_PER)], idx_v)
    pltpu.sync_copy(wc_hbm.at[pl.ds(base, S_PER)], wc_v)
    pltpu.sync_copy(ws_hbm.at[pl.ds(base, S_PER)], ws_v)
    sems = (sem0, sem1)
    osems = (osem0, osem1)
    smax = S_PER - 1

    rows = (rows0_v, rows1_v)
    pltpu.async_copy(t_hbm.at[idx_v.at[0]], rows[0], sem0)

    def _pair(g, carry):
        for p in range(2):
            s = 2 * g + p
            pltpu.make_async_copy(
                t_hbm.at[idx_v.at[s]], rows[p], sem0).wait()
            snext = jnp.minimum(s + 1, smax)
            pltpu.async_copy(t_hbm.at[idx_v.at[snext]], rows[1 - p], sem0)
            accs0 = tuple(bias_v[pl.ds(16 * j, 16)] for j in range(8))

            def _row(r, accs, _rv=rows[p], _s=s):
                sidx = jnp.full((16,), _s, dtype=jnp.int32)
                ridx = jnp.full((16,), r, dtype=jnp.int32)
                wc = plsc.load_gather(wc_v, [sidx, ridx])
                ws = plsc.load_gather(ws_v, [sidx, ridx])
                acc = list(accs)
                for half, wgt in ((0, wc), (4, ws)):
                    for q in range(4):
                        xq = _rv[r, pl.ds(16 * (half + q), 16)]
                        lo = plsc.bitcast(jnp.left_shift(xq, 16), jnp.float32)
                        hi = plsc.bitcast(xq & jnp.int32(-65536), jnp.float32)
                        acc[q] = acc[q] + wgt * lo
                        acc[4 + q] = acc[4 + q] + wgt * hi
                return tuple(acc)

            accs = lax.fori_loop(0, R, _row, accs0)
            if p == 1:
                pltpu.make_async_copy(
                    out_v.at[1 - p], o_hbm.at[base + s - 1], osem0).wait()
            else:
                @pl.when(g > 0)
                def _():
                    pltpu.make_async_copy(
                        out_v.at[1 - p], o_hbm.at[base + s - 1], osem0).wait()
            for j in range(8):
                out_v[p, pl.ds(16 * j, 16)] = accs[j]
            pltpu.async_copy(out_v.at[p], o_hbm.at[base + s], osem0)
        return carry

    lax.fori_loop(0, S_PER // 2, _pair, 0)
    pltpu.make_async_copy(out_v.at[1], o_hbm.at[base + smax], osem0).wait()
    pltpu.make_async_copy(t_hbm.at[idx_v.at[smax]], rows[0], sem0).wait()


def kernel(x, coeffs, bias, knots):
    cf = coeffs.reshape(D_OUT, D_IN * K)
    kn = knots.reshape(1, K)
    table = pl.pallas_call(
        _table_body,
        grid=(D_IN,),
        in_specs=[
            pl.BlockSpec((D_OUT, K), lambda i: (0, i)),
            pl.BlockSpec((1, K), lambda i: (0, 0)),
        ],
        out_specs=pl.BlockSpec((K, D_OUT), lambda i: (i, 0)),
        out_shape=jax.ShapeDtypeStruct((D_IN * K, D_OUT), jnp.int32),
    )(cf, kn)

    idx, wgc, wgs = pl.pallas_call(
        _weights_body,
        grid=(8,),
        in_specs=[pl.BlockSpec((N // 8, D_IN), lambda i: (i, 0))],
        out_specs=[
            pl.BlockSpec((N // 8, R), lambda i: (i, 0)),
            pl.BlockSpec((N // 8, R), lambda i: (i, 0)),
            pl.BlockSpec((N // 8, R), lambda i: (i, 0)),
        ],
        out_shape=[
            jax.ShapeDtypeStruct((N, R), jnp.int32),
            jax.ShapeDtypeStruct((N, R), jnp.float32),
            jax.ShapeDtypeStruct((N, R), jnp.float32),
        ],
    )(x)

    sc = pl.kernel(
        _sc_body,
        out_type=jax.ShapeDtypeStruct((N, D_OUT), jnp.float32),
        mesh=plsc.VectorSubcoreMesh(core_axis_name="c", subcore_axis_name="s"),
        compiler_params=pltpu.CompilerParams(needs_layout_passes=False),
        scratch_types=[
            pltpu.VMEM((S_PER, R), jnp.int32),
            pltpu.VMEM((S_PER, R), jnp.float32),
            pltpu.VMEM((S_PER, R), jnp.float32),
            pltpu.VMEM((R, D_OUT), jnp.int32),
            pltpu.VMEM((R, D_OUT), jnp.int32),
            pltpu.VMEM((D_OUT,), jnp.float32),
            pltpu.VMEM((2, D_OUT), jnp.float32),
            pltpu.SemaphoreType.DMA,
            pltpu.SemaphoreType.DMA,
            pltpu.SemaphoreType.DMA,
            pltpu.SemaphoreType.DMA,
        ],
    )
    return sc(table, idx, wgc, wgs, bias)

# --- scband reference (transcript-rebuilt; emitter-appended) ---
"""Pipeline reference for scband-kanlayer-70334384439341 (READ-ONLY COPY).

The authoritative reference and input builder live on the scoring server;
editing this copy changes nothing except your own understanding.
"""

import jax, jax.numpy as jnp
import numpy as np


def _pchip_slopes(y, x):
    K = y.shape[-1]
    h = x[1:] - x[:-1]
    h_safe = h + 1e-12
    delta = (y[..., 1:] - y[..., :-1]) / h_safe
    h0 = h[:-1]
    h1 = h[1:]
    w1 = 2.0 * h1 + h0
    w2 = h1 + 2.0 * h0
    delta0 = delta[..., :-1]
    delta1 = delta[..., 1:]
    same_sign = delta0 * delta1 > 0
    denom = w1 / (delta0 + 1e-12) + w2 / (delta1 + 1e-12)
    d_int = (w1 + w2) / (denom + 1e-12)
    d_mid = jnp.where(same_sign, d_int, jnp.zeros_like(d_int))
    d0 = ((2.0 * h[0] + h[1]) * delta[..., 0] - h[0] * delta[..., 1]) / (h[0] + h[1] + 1e-12)
    dN = ((2.0 * h[-1] + h[-2]) * delta[..., -1] - h[-1] * delta[..., -2]) / (h[-1] + h[-2] + 1e-12)

    def _limit(di, deltai):
        di = jnp.where(di * deltai <= 0, jnp.zeros_like(di), di)
        di = jnp.where(jnp.abs(di) > 3.0 * jnp.abs(deltai), 3.0 * deltai, di)
        return di

    d0 = _limit(d0, delta[..., 0])
    dN = _limit(dN, delta[..., -1])
    return jnp.concatenate([d0[..., None], d_mid, dN[..., None]], axis=-1)


def setup_inputs(seed: int = 0) -> dict:
    key = jax.random.key(seed)
    k1, k2 = jax.random.split(key)
    x = jax.random.uniform(k1, (4096, 64), dtype=jnp.float32)
    coeffs = jax.random.normal(k2, (128, 64, 1024), dtype=jnp.float32) * 0.2
    bias = jnp.zeros((128,), dtype=jnp.float32)
    knots = jnp.linspace(0.0, 1.0, 1024, dtype=jnp.float32)
    return {"x": x, "coeffs": coeffs, "bias": bias, "knots": knots}


def reference(x, coeffs, bias, knots):
    x_min, x_max = 0.0, 1.0
    K = coeffs.shape[-1]
    slopes = _pchip_slopes(coeffs, knots)
    h = (x_max - x_min) / (K - 1)
    xc = jnp.clip(x, x_min, x_max)
    idx = jnp.clip(jnp.floor((xc - x_min) / h).astype(jnp.int32), 0, K - 2)
    x0 = x_min + idx.astype(x.dtype) * h
    t = (xc - x0) / h
    t2 = t * t
    t3 = t2 * t
    h00 = 2 * t3 - 3 * t2 + 1
    h10 = t3 - 2 * t2 + t
    h01 = -2 * t3 + 3 * t2
    h11 = t3 - t2
    ct = jnp.transpose(coeffs, (1, 2, 0))
    st = jnp.transpose(slopes, (1, 2, 0))
    idx_t = idx.T
    y0 = jnp.take_along_axis(ct, idx_t[:, :, None], axis=1)
    y1 = jnp.take_along_axis(ct, (idx_t + 1)[:, :, None], axis=1)
    d0 = jnp.take_along_axis(st, idx_t[:, :, None], axis=1)
    d1 = jnp.take_along_axis(st, (idx_t + 1)[:, :, None], axis=1)
    yi = (h00.T[:, :, None] * y0 + h10.T[:, :, None] * h * d0
          + h01.T[:, :, None] * y1 + h11.T[:, :, None] * h * d1)
    xT = x.T[:, :, None]
    y_left = ct[:, 0:1, :] + st[:, 0:1, :] * (xT - x_min)
    y_right = ct[:, K - 1:K, :] + st[:, K - 1:K, :] * (xT - x_max)
    yi = jnp.where((x < x_min).T[:, :, None], y_left, yi)
    yi = jnp.where((x > x_max).T[:, :, None], y_right, yi)
    return yi.sum(axis=0) + bias[None, :]

if __name__ == "__main__":
    import jax
    _d = setup_inputs()
    print(jax.jit(kernel)(*tuple(_d.values())))

</pallas_src>

<mosaic_0001>
#map = affine_map<(d0, d1) -> (0, 0)>
#map1 = affine_map<(d0, d1) -> (0)>
module attributes {stable_mosaic.version = 14 : i64} {
  func.func @_sc_body(%arg0: i32, %arg1: i32, %arg2: memref<65536x128xi32, #tpu.memory_space<hbm>>, %arg3: memref<4096x128xi32, #tpu.memory_space<hbm>>, %arg4: memref<4096x128xf32, #tpu.memory_space<hbm>>, %arg5: memref<4096x128xf32, #tpu.memory_space<hbm>>, %arg6: memref<128xf32, #tpu.memory_space<hbm>>, %arg7: memref<4096x128xf32, #tpu.memory_space<hbm>>, %arg8: memref<128x128xi32, #tpu.memory_space<vmem>>, %arg9: memref<128x128xf32, #tpu.memory_space<vmem>>, %arg10: memref<128x128xf32, #tpu.memory_space<vmem>>, %arg11: memref<128x128xi32, #tpu.memory_space<vmem>>, %arg12: memref<128x128xi32, #tpu.memory_space<vmem>>, %arg13: memref<128xf32, #tpu.memory_space<vmem>>, %arg14: memref<2x128xf32, #tpu.memory_space<vmem>>, %arg15: memref<!tpu.dma_semaphore, #tpu.memory_space<semaphore_mem>>, %arg16: memref<!tpu.dma_semaphore, #tpu.memory_space<semaphore_mem>>, %arg17: memref<!tpu.dma_semaphore, #tpu.memory_space<semaphore_mem>>, %arg18: memref<!tpu.dma_semaphore, #tpu.memory_space<semaphore_mem>>) attributes {dimension_semantics = [#tpu.dimension_semantics<core_parallel>, #tpu.dimension_semantics<subcore_parallel>], iteration_bounds = array<i64: 2, 16>, scalar_prefetch = 0 : i64, scratch_operands = 11 : i64, tpu.core_type = #tpu.core_type<sc_vector_subcore>, window_params = [{transform_indices = #map}, {transform_indices = #map}, {transform_indices = #map}, {transform_indices = #map}, {transform_indices = #map1}, {transform_indices = #map}]} {
    %mul3A = arith.constant 2 : i32
    %mul3A_0 = arith.muli %arg1, %mul3A : i32
    %add3A = arith.addi %mul3A_0, %arg0 : i32
    %mul3A_1 = arith.constant 128 : i32
    %mul3A_2 = arith.muli %add3A, %mul3A_1 : i32
    "tpu.region"() ({
      %run_scoped3A = tpu.sem_alloc : memref<!tpu.dma_semaphore, #tpu.memory_space<semaphore_mem>>
      tpu.enqueue_dma source(%arg6 : memref<128xf32, #tpu.memory_space<hbm>>) target(%arg13 : memref<128xf32, #tpu.memory_space<vmem>>) target_semaphore(%run_scoped3A : memref<!tpu.dma_semaphore, #tpu.memory_space<semaphore_mem>>)
      tpu.wait_dma2 semaphore(%run_scoped3A : memref<!tpu.dma_semaphore, #tpu.memory_space<semaphore_mem>>) src(%arg6 : memref<128xf32, #tpu.memory_space<hbm>>) dst(%arg13 : memref<128xf32, #tpu.memory_space<vmem>>)
      tpu.yield
    }) : () -> ()
    "tpu.region"() ({
      %run_scoped3A = tpu.sem_alloc : memref<!tpu.dma_semaphore, #tpu.memory_space<semaphore_mem>>
      %dma_start3A_35 = arith.constant 0 : i32
      %dma_start3A_36 = tpu.memref_slice %arg3[%mul3A_2, %dma_start3A_35] : memref<4096x128xi32, #tpu.memory_space<hbm>> -> memref<128x128xi32, #tpu.memory_space<hbm>>
      %dma_start3A_37 = arith.constant 0 : i32
      %dma_start3A_38 = tpu.memref_slice %arg3[%mul3A_2, %dma_start3A_37] : memref<4096x128xi32, #tpu.memory_space<hbm>> -> memref<128x128xi32, #tpu.memory_space<hbm>>
      tpu.enqueue_dma source(%dma_start3A_38 : memref<128x128xi32, #tpu.memory_space<hbm>>) target(%arg8 : memref<128x128xi32, #tpu.memory_space<vmem>>) target_semaphore(%run_scoped3A : memref<!tpu.dma_semaphore, #tpu.memory_space<semaphore_mem>>)
      %dma_wait3A_39 = arith.constant 0 : i32
      %dma_wait3A_40 = tpu.memref_slice %arg3[%mul3A_2, %dma_wait3A_39] : memref<4096x128xi32, #tpu.memory_space<hbm>> -> memref<128x128xi32, #tpu.memory_space<hbm>>
      %dma_wait3A_41 = arith.constant 0 : i32
      %dma_wait3A_42 = tpu.memref_slice %arg3[%mul3A_2, %dma_wait3A_41] : memref<4096x128xi32, #tpu.memory_space<hbm>> -> memref<128x128xi32, #tpu.memory_space<hbm>>
      tpu.wait_dma2 semaphore(%run_scoped3A : memref<!tpu.dma_semaphore, #tpu.memory_space<semaphore_mem>>) src(%dma_wait3A_42 : memref<128x128xi32, #tpu.memory_space<hbm>>) dst(%arg8 : memref<128x128xi32, #tpu.memory_space<vmem>>)
      tpu.yield
    }) : () -> ()
    "tpu.region"() ({
      %run_scoped3A = tpu.sem_alloc : memref<!tpu.dma_semaphore, #tpu.memory_space<semaphore_mem>>
      %dma_start3A_35 = arith.constant 0 : i32
      %dma_start3A_36 = tpu.memref_slice %arg4[%mul3A_2, %dma_start3A_35] : memref<4096x128xf32, #tpu.memory_space<hbm>> -> memref<128x128xf32, #tpu.memory_space<hbm>>
      %dma_start3A_37 = arith.constant 0 : i32
      %dma_start3A_38 = tpu.memref_slice %arg4[%mul3A_2, %dma_start3A_37] : memref<4096x128xf32, #tpu.memory_space<hbm>> -> memref<128x128xf32, #tpu.memory_space<hbm>>
      tpu.enqueue_dma source(%dma_start3A_38 : memref<128x128xf32, #tpu.memory_space<hbm>>) target(%arg9 : memref<128x128xf32, #tpu.memory_space<vmem>>) target_semaphore(%run_scoped3A : memref<!tpu.dma_semaphore, #tpu.memory_space<semaphore_mem>>)
      %dma_wait3A_39 = arith.constant 0 : i32
      %dma_wait3A_40 = tpu.memref_slice %arg4[%mul3A_2, %dma_wait3A_39] : memref<4096x128xf32, #tpu.memory_space<hbm>> -> memref<128x128xf32, #tpu.memory_space<hbm>>
      %dma_wait3A_41 = arith.constant 0 : i32
      %dma_wait3A_42 = tpu.memref_slice %arg4[%mul3A_2, %dma_wait3A_41] : memref<4096x128xf32, #tpu.memory_space<hbm>> -> memref<128x128xf32, #tpu.memory_space<hbm>>
      tpu.wait_dma2 semaphore(%run_scoped3A : memref<!tpu.dma_semaphore, #tpu.memory_space<semaphore_mem>>) src(%dma_wait3A_42 : memref<128x128xf32, #tpu.memory_space<hbm>>) dst(%arg9 : memref<128x128xf32, #tpu.memory_space<vmem>>)
      tpu.yield
    }) : () -> ()
    "tpu.region"() ({
      %run_scoped3A = tpu.sem_alloc : memref<!tpu.dma_semaphore, #tpu.memory_space<semaphore_mem>>
      %dma_start3A_35 = arith.constant 0 : i32
      %dma_start3A_36 = tpu.memref_slice %arg5[%mul3A_2, %dma_start3A_35] : memref<4096x128xf32, #tpu.memory_space<hbm>> -> memref<128x128xf32, #tpu.memory_space<hbm>>
      %dma_start3A_37 = arith.constant 0 : i32
      %dma_start3A_38 = tpu.memref_slice %arg5[%mul3A_2, %dma_start3A_37] : memref<4096x128xf32, #tpu.memory_space<hbm>> -> memref<128x128xf32, #tpu.memory_space<hbm>>
      tpu.enqueue_dma source(%dma_start3A_38 : memref<128x128xf32, #tpu.memory_space<hbm>>) target(%arg10 : memref<128x128xf32, #tpu.memory_space<vmem>>) target_semaphore(%run_scoped3A : memref<!tpu.dma_semaphore, #tpu.memory_space<semaphore_mem>>)
      %dma_wait3A_39 = arith.constant 0 : i32
      %dma_wait3A_40 = tpu.memref_slice %arg5[%mul3A_2, %dma_wait3A_39] : memref<4096x128xf32, #tpu.memory_space<hbm>> -> memref<128x128xf32, #tpu.memory_space<hbm>>
      %dma_wait3A_41 = arith.constant 0 : i32
      %dma_wait3A_42 = tpu.memref_slice %arg5[%mul3A_2, %dma_wait3A_41] : memref<4096x128xf32, #tpu.memory_space<hbm>> -> memref<128x128xf32, #tpu.memory_space<hbm>>
      tpu.wait_dma2 semaphore(%run_scoped3A : memref<!tpu.dma_semaphore, #tpu.memory_space<semaphore_mem>>) src(%dma_wait3A_42 : memref<128x128xf32, #tpu.memory_space<hbm>>) dst(%arg10 : memref<128x128xf32, #tpu.memory_space<vmem>>)
      tpu.yield
    }) : () -> ()
    %dma_start3A = arith.constant 0 : i32
    %dma_start3A_3 = arith.constant 0 : i32
    %dma_start3A_4 = tpu.memref_slice %arg8[%dma_start3A, %dma_start3A_3] : memref<128x128xi32, #tpu.memory_space<vmem>> -> memref<1x128xi32, #tpu.memory_space<vmem>>
    %dma_start3A_5 = tpu.memref_squeeze %dma_start3A_4 : memref<1x128xi32, #tpu.memory_space<vmem>> -> memref<128xi32, #tpu.memory_space<vmem>>
    %dma_start3A_6 = arith.constant 0 : i32
    %dma_start3A_7 = arith.constant 0 : i32
    %dma_start3A_8 = tpu.memref_slice %arg2[%dma_start3A_6, %dma_start3A_7] : memref<65536x128xi32, #tpu.memory_space<hbm>> -> memref<65536x128xi32, #tpu.memory_space<hbm>>
    tpu.enqueue_indirect_dma source(%dma_start3A_8 : memref<65536x128xi32, #tpu.memory_space<hbm>>) target(%arg11 : memref<128x128xi32, #tpu.memory_space<vmem>>) offsets(%dma_start3A_5 : memref<128xi32, #tpu.memory_space<vmem>>) semaphore(%arg15 : memref<!tpu.dma_semaphore, #tpu.memory_space<semaphore_mem>>)
    %scan3A = arith.constant 0 : i32
    %scan3A_9 = arith.constant 0 : i32
    %scan3A_10 = arith.constant 64 : i32
    %scan3A_11 = arith.addi %scan3A_9, %scan3A_10 : i32
    %scan3A_12 = arith.constant 1 : i32
    scf.for %scan3A_35 = %scan3A_9 to %scan3A_11 step %scan3A_12  : i32 {
      %mul3A_36 = arith.constant 2 : i32
      %mul3A_37 = arith.muli %mul3A_36, %scan3A_35 : i32
      %add3A_38 = arith.constant 0 : i32
      %add3A_39 = arith.addi %mul3A_37, %add3A_38 : i32
      %dma_wait3A_40 = arith.constant 0 : i32
      %dma_wait3A_41 = tpu.memref_slice %arg8[%add3A_39, %dma_wait3A_40] : memref<128x128xi32, #tpu.memory_space<vmem>> -> memref<1x128xi32, #tpu.memory_space<vmem>>
      %dma_wait3A_42 = tpu.memref_squeeze %dma_wait3A_41 : memref<1x128xi32, #tpu.memory_space<vmem>> -> memref<128xi32, #tpu.memory_space<vmem>>
      %dma_wait3A_43 = arith.constant 0 : i32
      %dma_wait3A_44 = arith.constant 0 : i32
      %dma_wait3A_45 = tpu.memref_slice %arg2[%dma_wait3A_43, %dma_wait3A_44] : memref<65536x128xi32, #tpu.memory_space<hbm>> -> memref<65536x128xi32, #tpu.memory_space<hbm>>
      tpu.wait_indirect_dma semaphore(%arg15 : memref<!tpu.dma_semaphore, #tpu.memory_space<semaphore_mem>>) src(%dma_wait3A_45 : memref<65536x128xi32, #tpu.memory_space<hbm>>) dst(%arg11 : memref<128x128xi32, #tpu.memory_space<vmem>>)
      %add3A_46 = arith.constant 1 : i32
      %add3A_47 = arith.addi %add3A_39, %add3A_46 : i32
      %min3A = arith.constant 127 : i32
      %min3A_48 = arith.minsi %add3A_47, %min3A : i32
      %dma_start3A_49 = arith.constant 0 : i32
      %dma_start3A_50 = tpu.memref_slice %arg8[%min3A_48, %dma_start3A_49] : memref<128x128xi32, #tpu.memory_space<vmem>> -> memref<1x128xi32, #tpu.memory_space<vmem>>
      %dma_start3A_51 = tpu.memref_squeeze %dma_start3A_50 : memref<1x128xi32, #tpu.memory_space<vmem>> -> memref<128xi32, #tpu.memory_space<vmem>>
      %dma_start3A_52 = arith.constant 0 : i32
      %dma_start3A_53 = arith.constant 0 : i32
      %dma_start3A_54 = tpu.memref_slice %arg2[%dma_start3A_52, %dma_start3A_53] : memref<65536x128xi32, #tpu.memory_space<hbm>> -> memref<65536x128xi32, #tpu.memory_space<hbm>>
      tpu.enqueue_indirect_dma source(%dma_start3A_54 : memref<65536x128xi32, #tpu.memory_space<hbm>>) target(%arg12 : memref<128x128xi32, #tpu.memory_space<vmem>>) offsets(%dma_start3A_51 : memref<128xi32, #tpu.memory_space<vmem>>) semaphore(%arg15 : memref<!tpu.dma_semaphore, #tpu.memory_space<semaphore_mem>>)
      %get3A = arith.constant 0 : index
      %get3A_55 = tpu.vector_load %arg13[%get3A] {strides = array<i32>} : memref<128xf32, #tpu.memory_space<vmem>>, vector<16xf32>,
      %get3A_56 = arith.constant 16 : index
      %get3A_57 = tpu.vector_load %arg13[%get3A_56] {strides = array<i32>} : memref<128xf32, #tpu.memory_space<vmem>>, vector<16xf32>,
      %get3A_58 = arith.constant 32 : index
      %get3A_59 = tpu.vector_load %arg13[%get3A_58] {strides = array<i32>} : memref<128xf32, #tpu.memory_space<vmem>>, vector<16xf32>,
      %get3A_60 = arith.constant 48 : index
      %get3A_61 = tpu.vector_load %arg13[%get3A_60] {strides = array<i32>} : memref<128xf32, #tpu.memory_space<vmem>>, vector<16xf32>,
      %get3A_62 = arith.constant 64 : index
      %get3A_63 = tpu.vector_load %arg13[%get3A_62] {strides = array<i32>} : memref<128xf32, #tpu.memory_space<vmem>>, vector<16xf32>,
      %get3A_64 = arith.constant 80 : index
      %get3A_65 = tpu.vector_load %arg13[%get3A_64] {strides = array<i32>} : memref<128xf32, #tpu.memory_space<vmem>>, vector<16xf32>,
      %get3A_66 = arith.constant 96 : index
      %get3A_67 = tpu.vector_load %arg13[%get3A_66] {strides = array<i32>} : memref<128xf32, #tpu.memory_space<vmem>>, vector<16xf32>,
      %get3A_68 = arith.constant 112 : index
      %get3A_69 = tpu.vector_load %arg13[%get3A_68] {strides = array<i32>} : memref<128xf32, #tpu.memory_space<vmem>>, vector<16xf32>,
      %scan3A_70 = arith.constant 0 : i32
      %scan3A_71 = arith.constant 128 : i32
      %scan3A_72 = arith.addi %scan3A_70, %scan3A_71 : i32
      %scan3A_73 = arith.constant 1 : i32
      %scan3A_74:8 = scf.for %scan3A_226 = %scan3A_70 to %scan3A_72 step %scan3A_73 iter_args(%scan3A_227 = %get3A_55, %scan3A_228 = %get3A_57, %scan3A_229 = %get3A_59, %scan3A_230 = %get3A_61, %scan3A_231 = %get3A_63, %scan3A_232 = %get3A_65, %scan3A_233 = %get3A_67, %scan3A_234 = %get3A_69) -> (vector<16xf32>, vector<16xf32>, vector<16xf32>, vector<16xf32>, vector<16xf32>, vector<16xf32>, vector<16xf32>, vector<16xf32>)  : i32 {
        %broadcast_in_dim3A = vector.broadcast %add3A_39 : i32 to vector<16xi32>
        %broadcast_in_dim3A_235 = vector.broadcast %scan3A_226 : i32 to vector<16xi32>
        %gather3A = tpu.vector_load_idx %arg9[%broadcast_in_dim3A, %broadcast_in_dim3A_235] : memref<128x128xf32, #tpu.memory_space<vmem>>[vector<16xi32>, vector<16xi32>], vector<16xf32>,
        %gather3A_236 = tpu.vector_load_idx %arg10[%broadcast_in_dim3A, %broadcast_in_dim3A_235] : memref<128x128xf32, #tpu.memory_space<vmem>>[vector<16xi32>, vector<16xi32>], vector<16xf32>,
        %get3A_237 = arith.index_cast %scan3A_226 : i32 to index
        %get3A_238 = arith.constant 0 : index
        %get3A_239 = tpu.vector_load %arg11[%get3A_237, %get3A_238] {strides = array<i32>} : memref<128x128xi32, #tpu.memory_space<vmem>>, vector<16xi32>,
        %shift_left3A = arith.constant 16 : i32
        %shift_left3A_240 = vector.broadcast %shift_left3A : i32 to vector<16xi32>
        %shift_left3A_241 = arith.shli %get3A_239, %shift_left3A_240 : vector<16xi32>
        %bitcast3A = vector.bitcast %shift_left3A_241 : vector<16xi32> to vector<16xf32>
        %and3A = arith.constant -65536 : i32
        %and3A_242 = vector.broadcast %and3A : i32 to vector<16xi32>
        %and3A_243 = arith.andi %get3A_239, %and3A_242 : vector<16xi32>
        %bitcast3A_244 = vector.bitcast %and3A_243 : vector<16xi32> to vector<16xf32>
        %mul3A_245 = arith.mulf %gather3A, %bitcast3A : vector<16xf32>
        %add3A_246 = arith.addf %scan3A_227, %mul3A_245 : vector<16xf32>
        %mul3A_247 = arith.mulf %gather3A, %bitcast3A_244 : vector<16xf32>
        %add3A_248 = arith.addf %scan3A_231, %mul3A_247 : vector<16xf32>
        %get3A_249 = arith.index_cast %scan3A_226 : i32 to index
        %get3A_250 = arith.constant 16 : index
        %get3A_251 = tpu.vector_load %arg11[%get3A_249, %get3A_250] {strides = array<i32>} : memref<128x128xi32, #tpu.memory_space<vmem>>, vector<16xi32>,
        %shift_left3A_252 = arith.constant 16 : i32
        %shift_left3A_253 = vector.broadcast %shift_left3A_252 : i32 to vector<16xi32>
        %shift_left3A_254 = arith.shli %get3A_251, %shift_left3A_253 : vector<16xi32>
        %bitcast3A_255 = vector.bitcast %shift_left3A_254 : vector<16xi32> to vector<16xf32>
        %and3A_256 = arith.constant -65536 : i32
        %and3A_257 = vector.broadcast %and3A_256 : i32 to vector<16xi32>
        %and3A_258 = arith.andi %get3A_251, %and3A_257 : vector<16xi32>
        %bitcast3A_259 = vector.bitcast %and3A_258 : vector<16xi32> to vector<16xf32>
        %mul3A_260 = arith.mulf %gather3A, %bitcast3A_255 : vector<16xf32>
        %add3A_261 = arith.addf %scan3A_228, %mul3A_260 : vector<16xf32>
        %mul3A_262 = arith.mulf %gather3A, %bitcast3A_259 : vector<16xf32>
        %add3A_263 = arith.addf %scan3A_232, %mul3A_262 : vector<16xf32>
        %get3A_264 = arith.index_cast %scan3A_226 : i32 to index
        %get3A_265 = arith.constant 32 : index
        %get3A_266 = tpu.vector_load %arg11[%get3A_264, %get3A_265] {strides = array<i32>} : memref<128x128xi32, #tpu.memory_space<vmem>>, vector<16xi32>,
        %shift_left3A_267 = arith.constant 16 : i32
        %shift_left3A_268 = vector.broadcast %shift_left3A_267 : i32 to vector<16xi32>
        %shift_left3A_269 = arith.shli %get3A_266, %shift_left3A_268 : vector<16xi32>
        %bitcast3A_270 = vector.bitcast %shift_left3A_269 : vector<16xi32> to vector<16xf32>
        %and3A_271 = arith.constant -65536 : i32
        %and3A_272 = vector.broadcast %and3A_271 : i32 to vector<16xi32>
        %and3A_273 = arith.andi %get3A_266, %and3A_272 : vector<16xi32>
        %bitcast3A_274 = vector.bitcast %and3A_273 : vector<16xi32> to vector<16xf32>
        %mul3A_275 = arith.mulf %gather3A, %bitcast3A_270 : vector<16xf32>
        %add3A_276 = arith.addf %scan3A_229, %mul3A_275 : vector<16xf32>
        %mul3A_277 = arith.mulf %gather3A, %bitcast3A_274 : vector<16xf32>
        %add3A_278 = arith.addf %scan3A_233, %mul3A_277 : vector<16xf32>
        %get3A_279 = arith.index_cast %scan3A_226 : i32 to index
        %get3A_280 = arith.constant 48 : index
        %get3A_281 = tpu.vector_load %arg11[%get3A_279, %get3A_280] {strides = array<i32>} : memref<128x128xi32, #tpu.memory_space<vmem>>, vector<16xi32>,
        %shift_left3A_282 = arith.constant 16 : i32
        %shift_left3A_283 = vector.broadcast %shift_left3A_282 : i32 to vector<16xi32>
        %shift_left3A_284 = arith.shli %get3A_281, %shift_left3A_283 : vector<16xi32>
        %bitcast3A_285 = vector.bitcast %shift_left3A_284 : vector<16xi32> to vector<16xf32>
        %and3A_286 = arith.constant -65536 : i32
        %and3A_287 = vector.broadcast %and3A_286 : i32 to vector<16xi32>
        %and3A_288 = arith.andi %get3A_281, %and3A_287 : vector<16xi32>
        %bitcast3A_289 = vector.bitcast %and3A_288 : vector<16xi32> to vector<16xf32>
        %mul3A_290 = arith.mulf %gather3A, %bitcast3A_285 : vector<16xf32>
        %add3A_291 = arith.addf %scan3A_230, %mul3A_290 : vector<16xf32>
        %mul3A_292 = arith.mulf %gather3A, %bitcast3A_289 : vector<16xf32>
        %add3A_293 = arith.addf %scan3A_234, %mul3A_292 : vector<16xf32>
        %get3A_294 = arith.index_cast %scan3A_226 : i32 to index
        %get3A_295 = arith.constant 64 : index
        %get3A_296 = tpu.vector_load %arg11[%get3A_294, %get3A_295] {strides = array<i32>} : memref<128x128xi32, #tpu.memory_space<vmem>>, vector<16xi32>,
        %shift_left3A_297 = arith.constant 16 : i32
        %shift_left3A_298 = vector.broadcast %shift_left3A_297 : i32 to vector<16xi32>
        %shift_left3A_299 = arith.shli %get3A_296, %shift_left3A_298 : vector<16xi32>
        %bitcast3A_300 = vector.bitcast %shift_left3A_299 : vector<16xi32> to vector<16xf32>
        %and3A_301 = arith.constant -65536 : i32
        %and3A_302 = vector.broadcast %and3A_301 : i32 to vector<16xi32>
        %and3A_303 = arith.andi %get3A_296, %and3A_302 : vector<16xi32>
        %bitcast3A_304 = vector.bitcast %and3A_303 : vector<16xi32> to vector<16xf32>
        %mul3A_305 = arith.mulf %gather3A_236, %bitcast3A_300 : vector<16xf32>
        %add3A_306 = arith.addf %add3A_246, %mul3A_305 : vector<16xf32>
        %mul3A_307 = arith.mulf %gather3A_236, %bitcast3A_304 : vector<16xf32>
        %add3A_308 = arith.addf %add3A_248, %mul3A_307 : vector<16xf32>
        %get3A_309 = arith.index_cast %scan3A_226 : i32 to index
        %get3A_310 = arith.constant 80 : index
        %get3A_311 = tpu.vector_load %arg11[%get3A_309, %get3A_310] {strides = array<i32>} : memref<128x128xi32, #tpu.memory_space<vmem>>, vector<16xi32>,
        %shift_left3A_312 = arith.constant 16 : i32
        %shift_left3A_313 = vector.broadcast %shift_left3A_312 : i32 to vector<16xi32>
        %shift_left3A_314 = arith.shli %get3A_311, %shift_left3A_313 : vector<16xi32>
        %bitcast3A_315 = vector.bitcast %shift_left3A_314 : vector<16xi32> to vector<16xf32>
        %and3A_316 = arith.constant -65536 : i32
        %and3A_317 = vector.broadcast %and3A_316 : i32 to vector<16xi32>
        %and3A_318 = arith.andi %get3A_311, %and3A_317 : vector<16xi32>
        %bitcast3A_319 = vector.bitcast %and3A_318 : vector<16xi32> to vector<16xf32>
        %mul3A_320 = arith.mulf %gather3A_236, %bitcast3A_315 : vector<16xf32>
        %add3A_321 = arith.addf %add3A_261, %mul3A_320 : vector<16xf32>
        %mul3A_322 = arith.mulf %gather3A_236, %bitcast3A_319 : vector<16xf32>
        %add3A_323 = arith.addf %add3A_263, %mul3A_322 : vector<16xf32>
        %get3A_324 = arith.index_cast %scan3A_226 : i32 to index
        %get3A_325 = arith.constant 96 : index
        %get3A_326 = tpu.vector_load %arg11[%get3A_324, %get3A_325] {strides = array<i32>} : memref<128x128xi32, #tpu.memory_space<vmem>>, vector<16xi32>,
        %shift_left3A_327 = arith.constant 16 : i32
        %shift_left3A_328 = vector.broadcast %shift_left3A_327 : i32 to vector<16xi32>
        %shift_left3A_329 = arith.shli %get3A_326, %shift_left3A_328 : vector<16xi32>
        %bitcast3A_330 = vector.bitcast %shift_left3A_329 : vector<16xi32> to vector<16xf32>
        %and3A_331 = arith.constant -65536 : i32
        %and3A_332 = vector.broadcast %and3A_331 : i32 to vector<16xi32>
        %and3A_333 = arith.andi %get3A_326, %and3A_332 : vector<16xi32>
        %bitcast3A_334 = vector.bitcast %and3A_333 : vector<16xi32> to vector<16xf32>
        %mul3A_335 = arith.mulf %gather3A_236, %bitcast3A_330 : vector<16xf32>
        %add3A_336 = arith.addf %add3A_276, %mul3A_335 : vector<16xf32>
        %mul3A_337 = arith.mulf %gather3A_236, %bitcast3A_334 : vector<16xf32>
        %add3A_338 = arith.addf %add3A_278, %mul3A_337 : vector<16xf32>
        %get3A_339 = arith.index_cast %scan3A_226 : i32 to index
        %get3A_340 = arith.constant 112 : index
        %get3A_341 = tpu.vector_load %arg11[%get3A_339, %get3A_340] {strides = array<i32>} : memref<128x128xi32, #tpu.memory_space<vmem>>, vector<16xi32>,
        %shift_left3A_342 = arith.constant 16 : i32
        %shift_left3A_343 = vector.broadcast %shift_left3A_342 : i32 to vector<16xi32>
        %shift_left3A_344 = arith.shli %get3A_341, %shift_left3A_343 : vector<16xi32>
        %bitcast3A_345 = vector.bitcast %shift_left3A_344 : vector<16xi32> to vector<16xf32>
        %and3A_346 = arith.constant -65536 : i32
        %and3A_347 = vector.broadcast %and3A_346 : i32 to vector<16xi32>
        %and3A_348 = arith.andi %get3A_341, %and3A_347 : vector<16xi32>
        %bitcast3A_349 = vector.bitcast %and3A_348 : vector<16xi32> to vector<16xf32>
        %mul3A_350 = arith.mulf %gather3A_236, %bitcast3A_345 : vector<16xf32>
        %add3A_351 = arith.addf %add3A_291, %mul3A_350 : vector<16xf32>
        %mul3A_352 = arith.mulf %gather3A_236, %bitcast3A_349 : vector<16xf32>
        %add3A_353 = arith.addf %add3A_293, %mul3A_352 : vector<16xf32>
        scf.yield %add3A_306, %add3A_321, %add3A_336, %add3A_351, %add3A_308, %add3A_323, %add3A_338, %add3A_353 : vector<16xf32>, vector<16xf32>, vector<16xf32>, vector<16xf32>, vector<16xf32>, vector<16xf32>, vector<16xf32>, vector<16xf32>
      }
      %scan3A_75 = arith.constant 128 : i32
      %gt3A = arith.constant 0 : i32
      %gt3A_76 = arith.cmpi sgt, %scan3A_35, %gt3A : i32
      %convert_element_type3A = arith.extui %gt3A_76 : i1 to i32
      %cond3A = arith.constant 0 : i32
      %cond3A_77 = arith.cmpi ne, %convert_element_type3A, %cond3A : i32
      scf.if %cond3A_77 {
        %add3A_226 = arith.addi %mul3A_2, %add3A_39 : i32
        %sub3A_227 = arith.constant 1 : i32
        %sub3A_228 = arith.subi %add3A_226, %sub3A_227 : i32
        %dma_wait3A_229 = arith.constant 1 : i32
        %dma_wait3A_230 = arith.constant 0 : i32
        %dma_wait3A_231 = tpu.memref_slice %arg14[%dma_wait3A_229, %dma_wait3A_230] : memref<2x128xf32, #tpu.memory_space<vmem>> -> memref<1x128xf32, #tpu.memory_space<vmem>>
        %dma_wait3A_232 = tpu.memref_squeeze %dma_wait3A_231 : memref<1x128xf32, #tpu.memory_space<vmem>> -> memref<128xf32, #tpu.memory_space<vmem>>
        %dma_wait3A_233 = arith.constant 0 : i32
        %dma_wait3A_234 = tpu.memref_slice %arg7[%sub3A_228, %dma_wait3A_233] : memref<4096x128xf32, #tpu.memory_space<hbm>> -> memref<1x128xf32, #tpu.memory_space<hbm>>
        %dma_wait3A_235 = tpu.memref_squeeze %dma_wait3A_234 : memref<1x128xf32, #tpu.memory_space<hbm>> -> memref<128xf32, #tpu.memory_space<hbm>>
        %dma_wait3A_236 = arith.constant 0 : i32
        %dma_wait3A_237 = tpu.memref_slice %arg7[%sub3A_228, %dma_wait3A_236] : memref<4096x128xf32, #tpu.memory_space<hbm>> -> memref<1x128xf32, #tpu.memory_space<hbm>>
        %dma_wait3A_238 = tpu.memref_squeeze %dma_wait3A_237 : memref<1x128xf32, #tpu.memory_space<hbm>> -> memref<128xf32, #tpu.memory_space<hbm>>
        %dma_wait3A_239 = arith.constant 0 : i32
        %dma_wait3A_240 = tpu.memref_slice %arg14[%dma_wait3A_229, %dma_wait3A_239] : memref<2x128xf32, #tpu.memory_space<vmem>> -> memref<1x128xf32, #tpu.memory_space<vmem>>
        %dma_wait3A_241 = tpu.memref_squeeze %dma_wait3A_240 : memref<1x128xf32, #tpu.memory_space<vmem>> -> memref<128xf32, #tpu.memory_space<vmem>>
        tpu.wait_dma2 semaphore(%arg17 : memref<!tpu.dma_semaphore, #tpu.memory_space<semaphore_mem>>) src(%dma_wait3A_241 : memref<128xf32, #tpu.memory_space<vmem>>) dst(%dma_wait3A_238 : memref<128xf32, #tpu.memory_space<hbm>>)
      } else {
      }
      %swap3A = arith.constant 0 : i32
      %swap3A_78 = arith.index_cast %swap3A : i32 to index
      %swap3A_79 = arith.constant 0 : index
      %swap3A_80 = tpu.vector_load %arg14[%swap3A_78, %swap3A_79] {strides = array<i32>} : memref<2x128xf32, #tpu.memory_space<vmem>>, vector<16xf32>,
      tpu.vector_store %arg14[%swap3A_78, %swap3A_79], %scan3A_74#0 {strides = array<i32>} : memref<2x128xf32, #tpu.memory_space<vmem>>, vector<16xf32>,
      %swap3A_81 = arith.constant 0 : i32
      %swap3A_82 = arith.index_cast %swap3A_81 : i32 to index
      %swap3A_83 = arith.constant 16 : index
      %swap3A_84 = tpu.vector_load %arg14[%swap3A_82, %swap3A_83] {strides = array<i32>} : memref<2x128xf32, #tpu.memory_space<vmem>>, vector<16xf32>,
      tpu.vector_store %arg14[%swap3A_82, %swap3A_83], %scan3A_74#1 {strides = array<i32>} : memref<2x128xf32, #tpu.memory_space<vmem>>, vector<16xf32>,
      %swap3A_85 = arith.constant 0 : i32
      %swap3A_86 = arith.index_cast %swap3A_85 : i32 to index
      %swap3A_87 = arith.constant 32 : index
      %swap3A_88 = tpu.vector_load %arg14[%swap3A_86, %swap3A_87] {strides = array<i32>} : memref<2x128xf32, #tpu.memory_space<vmem>>, vector<16xf32>,
      tpu.vector_store %arg14[%swap3A_86, %swap3A_87], %scan3A_74#2 {strides = array<i32>} : memref<2x128xf32, #tpu.memory_space<vmem>>, vector<16xf32>,
      %swap3A_89 = arith.constant 0 : i32
      %swap3A_90 = arith.index_cast %swap3A_89 : i32 to index
      %swap3A_91 = arith.constant 48 : index
      %swap3A_92 = tpu.vector_load %arg14[%swap3A_90, %swap3A_91] {strides = array<i32>} : memref<2x128xf32, #tpu.memory_space<vmem>>, vector<16xf32>,
      tpu.vector_store %arg14[%swap3A_90, %swap3A_91], %scan3A_74#3 {strides = array<i32>} : memref<2x128xf32, #tpu.memory_space<vmem>>, vector<16xf32>,
      %swap3A_93 = arith.constant 0 : i32
      %swap3A_94 = arith.index_cast %swap3A_93 : i32 to index
      %swap3A_95 = arith.constant 64 : index
      %swap3A_96 = tpu.vector_load %arg14[%swap3A_94, %swap3A_95] {strides = array<i32>} : memref<2x128xf32, #tpu.memory_space<vmem>>, vector<16xf32>,
      tpu.vector_store %arg14[%swap3A_94, %swap3A_95], %scan3A_74#4 {strides = array<i32>} : memref<2x128xf32, #tpu.memory_space<vmem>>, vector<16xf32>,
      %swap3A_97 = arith.constant 0 : i32
      %swap3A_98 = arith.index_cast %swap3A_97 : i32 to index
      %swap3A_99 = arith.constant 80 : index
      %swap3A_100 = tpu.vector_load %arg14[%swap3A_98, %swap3A_99] {strides = array<i32>} : memref<2x128xf32, #tpu.memory_space<vmem>>, vector<16xf32>,
      tpu.vector_store %arg14[%swap3A_98, %swap3A_99], %scan3A_74#5 {strides = array<i32>} : memref<2x128xf32, #tpu.memory_space<vmem>>, vector<16xf32>,
      %swap3A_101 = arith.constant 0 : i32
      %swap3A_102 = arith.index_cast %swap3A_101 : i32 to index
      %swap3A_103 = arith.constant 96 : index
      %swap3A_104 = tpu.vector_load %arg14[%swap3A_102, %swap3A_103] {strides = array<i32>} : memref<2x128xf32, #tpu.memory_space<vmem>>, vector<16xf32>,
      tpu.vector_store %arg14[%swap3A_102, %swap3A_103], %scan3A_74#6 {strides = array<i32>} : memref<2x128xf32, #tpu.memory_space<vmem>>, vector<16xf32>,
      %swap3A_105 = arith.constant 0 : i32
      %swap3A_106 = arith.index_cast %swap3A_105 : i32 to index
      %swap3A_107 = arith.constant 112 : index
      %swap3A_108 = tpu.vector_load %arg14[%swap3A_106, %swap3A_107] {strides = array<i32>} : memref<2x128xf32, #tpu.memory_space<vmem>>, vector<16xf32>,
      tpu.vector_store %arg14[%swap3A_106, %swap3A_107], %scan3A_74#7 {strides = array<i32>} : memref<2x128xf32, #tpu.memory_space<vmem>>, vector<16xf32>,
      %add3A_109 = arith.addi %mul3A_2, %add3A_39 : i32
      %dma_start3A_110 = arith.constant 0 : i32
      %dma_start3A_111 = arith.constant 0 : i32
      %dma_start3A_112 = tpu.memref_slice %arg14[%dma_start3A_110, %dma_start3A_111] : memref<2x128xf32, #tpu.memory_space<vmem>> -> memref<1x128xf32, #tpu.memory_space<vmem>>
      %dma_start3A_113 = tpu.memref_squeeze %dma_start3A_112 : memref<1x128xf32, #tpu.memory_space<vmem>> -> memref<128xf32, #tpu.memory_space<vmem>>
      %dma_start3A_114 = arith.constant 0 : i32
      %dma_start3A_115 = tpu.memref_slice %arg7[%add3A_109, %dma_start3A_114] : memref<4096x128xf32, #tpu.memory_space<hbm>> -> memref<1x128xf32, #tpu.memory_space<hbm>>
      %dma_start3A_116 = tpu.memref_squeeze %dma_start3A_115 : memref<1x128xf32, #tpu.memory_space<hbm>> -> memref<128xf32, #tpu.memory_space<hbm>>
      %dma_start3A_117 = arith.constant 0 : i32
      %dma_start3A_118 = tpu.memref_slice %arg7[%add3A_109, %dma_start3A_117] : memref<4096x128xf32, #tpu.memory_space<hbm>> -> memref<1x128xf32, #tpu.memory_space<hbm>>
      %dma_start3A_119 = tpu.memref_squeeze %dma_start3A_118 : memref<1x128xf32, #tpu.memory_space<hbm>> -> memref<128xf32, #tpu.memory_space<hbm>>
      %dma_start3A_120 = arith.constant 0 : i32
      %dma_start3A_121 = tpu.memref_slice %arg14[%dma_start3A_110, %dma_start3A_120] : memref<2x128xf32, #tpu.memory_space<vmem>> -> memref<1x128xf32, #tpu.memory_space<vmem>>
      %dma_start3A_122 = tpu.memref_squeeze %dma_start3A_121 : memref<1x128xf32, #tpu.memory_space<vmem>> -> memref<128xf32, #tpu.memory_space<vmem>>
      tpu.enqueue_dma source(%dma_start3A_122 : memref<128xf32, #tpu.memory_space<vmem>>) target(%dma_start3A_119 : memref<128xf32, #tpu.memory_space<hbm>>) target_semaphore(%arg17 : memref<!tpu.dma_semaphore, #tpu.memory_space<semaphore_mem>>)
      %mul3A_123 = arith.constant 2 : i32
      %mul3A_124 = arith.muli %mul3A_123, %scan3A_35 : i32
      %add3A_125 = arith.constant 1 : i32
      %add3A_126 = arith.addi %mul3A_124, %add3A_125 : i32
      %dma_wait3A_127 = arith.constant 0 : i32
      %dma_wait3A_128 = tpu.memref_slice %arg8[%add3A_126, %dma_wait3A_127] : memref<128x128xi32, #tpu.memory_space<vmem>> -> memref<1x128xi32, #tpu.memory_space<vmem>>
      %dma_wait3A_129 = tpu.memref_squeeze %dma_wait3A_128 : memref<1x128xi32, #tpu.memory_space<vmem>> -> memref<128xi32, #tpu.memory_space<vmem>>
      %dma_wait3A_130 = arith.constant 0 : i32
      %dma_wait3A_131 = arith.constant 0 : i32
      %dma_wait3A_132 = tpu.memref_slice %arg2[%dma_wait3A_130, %dma_wait3A_131] : memref<65536x128xi32, #tpu.memory_space<hbm>> -> memref<65536x128xi32, #tpu.memory_space<hbm>>
      tpu.wait_indirect_dma semaphore(%arg15 : memref<!tpu.dma_semaphore, #tpu.memory_space<semaphore_mem>>) src(%dma_wait3A_132 : memref<65536x128xi32, #tpu.memory_space<hbm>>) dst(%arg12 : memref<128x128xi32, #tpu.memory_space<vmem>>)
      %add3A_133 = arith.constant 1 : i32
      %add3A_134 = arith.addi %add3A_126, %add3A_133 : i32
      %min3A_135 = arith.constant 127 : i32
      %min3A_136 = arith.minsi %add3A_134, %min3A_135 : i32
      %dma_start3A_137 = arith.constant 0 : i32
      %dma_start3A_138 = tpu.memref_slice %arg8[%min3A_136, %dma_start3A_137] : memref<128x128xi32, #tpu.memory_space<vmem>> -> memref<1x128xi32, #tpu.memory_space<vmem>>
      %dma_start3A_139 = tpu.memref_squeeze %dma_start3A_138 : memref<1x128xi32, #tpu.memory_space<vmem>> -> memref<128xi32, #tpu.memory_space<vmem>>
      %dma_start3A_140 = arith.constant 0 : i32
      %dma_start3A_141 = arith.constant 0 : i32
      %dma_start3A_142 = tpu.memref_slice %arg2[%dma_start3A_140, %dma_start3A_141] : memref<65536x128xi32, #tpu.memory_space<hbm>> -> memref<65536x128xi32, #tpu.memory_space<hbm>>
      tpu.enqueue_indirect_dma source(%dma_start3A_142 : memref<65536x128xi32, #tpu.memory_space<hbm>>) target(%arg11 : memref<128x128xi32, #tpu.memory_space<vmem>>) offsets(%dma_start3A_139 : memref<128xi32, #tpu.memory_space<vmem>>) semaphore(%arg15 : memref<!tpu.dma_semaphore, #tpu.memory_space<semaphore_mem>>)
      %get3A_143 = arith.constant 0 : index
      %get3A_144 = tpu.vector_load %arg13[%get3A_143] {strides = array<i32>} : memref<128xf32, #tpu.memory_space<vmem>>, vector<16xf32>,
      %get3A_145 = arith.constant 16 : index
      %get3A_146 = tpu.vector_load %arg13[%get3A_145] {strides = array<i32>} : memref<128xf32, #tpu.memory_space<vmem>>, vector<16xf32>,
      %get3A_147 = arith.constant 32 : index
      %get3A_148 = tpu.vector_load %arg13[%get3A_147] {strides = array<i32>} : memref<128xf32, #tpu.memory_space<vmem>>, vector<16xf32>,
      %get3A_149 = arith.constant 48 : index
      %get3A_150 = tpu.vector_load %arg13[%get3A_149] {strides = array<i32>} : memref<128xf32, #tpu.memory_space<vmem>>, vector<16xf32>,
      %get3A_151 = arith.constant 64 : index
      %get3A_152 = tpu.vector_load %arg13[%get3A_151] {strides = array<i32>} : memref<128xf32, #tpu.memory_space<vmem>>, vector<16xf32>,
      %get3A_153 = arith.constant 80 : index
      %get3A_154 = tpu.vector_load %arg13[%get3A_153] {strides = array<i32>} : memref<128xf32, #tpu.memory_space<vmem>>, vector<16xf32>,
      %get3A_155 = arith.constant 96 : index
      %get3A_156 = tpu.vector_load %arg13[%get3A_155] {strides = array<i32>} : memref<128xf32, #tpu.memory_space<vmem>>, vector<16xf32>,
      %get3A_157 = arith.constant 112 : index
      %get3A_158 = tpu.vector_load %arg13[%get3A_157] {strides = array<i32>} : memref<128xf32, #tpu.memory_space<vmem>>, vector<16xf32>,
      %scan3A_159 = arith.constant 0 : i32
      %scan3A_160 = arith.constant 128 : i32
      %scan3A_161 = arith.addi %scan3A_159, %scan3A_160 : i32
      %scan3A_162 = arith.constant 1 : i32
      %scan3A_163:8 = scf.for %scan3A_226 = %scan3A_159 to %scan3A_161 step %scan3A_162 iter_args(%scan3A_227 = %get3A_144, %scan3A_228 = %get3A_146, %scan3A_229 = %get3A_148, %scan3A_230 = %get3A_150, %scan3A_231 = %get3A_152, %scan3A_232 = %get3A_154, %scan3A_233 = %get3A_156, %scan3A_234 = %get3A_158) -> (vector<16xf32>, vector<16xf32>, vector<16xf32>, vector<16xf32>, vector<16xf32>, vector<16xf32>, vector<16xf32>, vector<16xf32>)  : i32 {
        %broadcast_in_dim3A = vector.broadcast %add3A_126 : i32 to vector<16xi32>
        %broadcast_in_dim3A_235 = vector.broadcast %scan3A_226 : i32 to vector<16xi32>
        %gather3A = tpu.vector_load_idx %arg9[%broadcast_in_dim3A, %broadcast_in_dim3A_235] : memref<128x128xf32, #tpu.memory_space<vmem>>[vector<16xi32>, vector<16xi32>], vector<16xf32>,
        %gather3A_236 = tpu.vector_load_idx %arg10[%broadcast_in_dim3A, %broadcast_in_dim3A_235] : memref<128x128xf32, #tpu.memory_space<vmem>>[vector<16xi32>, vector<16xi32>], vector<16xf32>,
        %get3A_237 = arith.index_cast %scan3A_226 : i32 to index
        %get3A_238 = arith.constant 0 : index
        %get3A_239 = tpu.vector_load %arg12[%get3A_237, %get3A_238] {strides = array<i32>} : memref<128x128xi32, #tpu.memory_space<vmem>>, vector<16xi32>,
        %shift_left3A = arith.constant 16 : i32
        %shift_left3A_240 = vector.broadcast %shift_left3A : i32 to vector<16xi32>
        %shift_left3A_241 = arith.shli %get3A_239, %shift_left3A_240 : vector<16xi32>
        %bitcast3A = vector.bitcast %shift_left3A_241 : vector<16xi32> to vector<16xf32>
        %and3A = arith.constant -65536 : i32
        %and3A_242 = vector.broadcast %and3A : i32 to vector<16xi32>
        %and3A_243 = arith.andi %get3A_239, %and3A_242 : vector<16xi32>
        %bitcast3A_244 = vector.bitcast %and3A_243 : vector<16xi32> to vector<16xf32>
        %mul3A_245 = arith.mulf %gather3A, %bitcast3A : vector<16xf32>
        %add3A_246 = arith.addf %scan3A_227, %mul3A_245 : vector<16xf32>
        %mul3A_247 = arith.mulf %gather3A, %bitcast3A_244 : vector<16xf32>
        %add3A_248 = arith.addf %scan3A_231, %mul3A_247 : vector<16xf32>
        %get3A_249 = arith.index_cast %scan3A_226 : i32 to index
        %get3A_250 = arith.constant 16 : index
        %get3A_251 = tpu.vector_load %arg12[%get3A_249, %get3A_250] {strides = array<i32>} : memref<128x128xi32, #tpu.memory_space<vmem>>, vector<16xi32>,
        %shift_left3A_252 = arith.constant 16 : i32
        %shift_left3A_253 = vector.broadcast %shift_left3A_252 : i32 to vector<16xi32>
        %shift_left3A_254 = arith.shli %get3A_251, %shift_left3A_253 : vector<16xi32>
        %bitcast3A_255 = vector.bitcast %shift_left3A_254 : vector<16xi32> to vector<16xf32>
        %and3A_256 = arith.constant -65536 : i32
        %and3A_257 = vector.broadcast %and3A_256 : i32 to vector<16xi32>
        %and3A_258 = arith.andi %get3A_251, %and3A_257 : vector<16xi32>
        %bitcast3A_259 = vector.bitcast %and3A_258 : vector<16xi32> to vector<16xf32>
        %mul3A_260 = arith.mulf %gather3A, %bitcast3A_255 : vector<16xf32>
        %add3A_261 = arith.addf %scan3A_228, %mul3A_260 : vector<16xf32>
        %mul3A_262 = arith.mulf %gather3A, %bitcast3A_259 : vector<16xf32>
        %add3A_263 = arith.addf %scan3A_232, %mul3A_262 : vector<16xf32>
        %get3A_264 = arith.index_cast %scan3A_226 : i32 to index
        %get3A_265 = arith.constant 32 : index
        %get3A_266 = tpu.vector_load %arg12[%get3A_264, %get3A_265] {strides = array<i32>} : memref<128x128xi32, #tpu.memory_space<vmem>>, vector<16xi32>,
        %shift_left3A_267 = arith.constant 16 : i32
        %shift_left3A_268 = vector.broadcast %shift_left3A_267 : i32 to vector<16xi32>
        %shift_left3A_269 = arith.shli %get3A_266, %shift_left3A_268 : vector<16xi32>
        %bitcast3A_270 = vector.bitcast %shift_left3A_269 : vector<16xi32> to vector<16xf32>
        %and3A_271 = arith.constant -65536 : i32
        %and3A_272 = vector.broadcast %and3A_271 : i32 to vector<16xi32>
        %and3A_273 = arith.andi %get3A_266, %and3A_272 : vector<16xi32>
        %bitcast3A_274 = vector.bitcast %and3A_273 : vector<16xi32> to vector<16xf32>
        %mul3A_275 = arith.mulf %gather3A, %bitcast3A_270 : vector<16xf32>
        %add3A_276 = arith.addf %scan3A_229, %mul3A_275 : vector<16xf32>
        %mul3A_277 = arith.mulf %gather3A, %bitcast3A_274 : vector<16xf32>
        %add3A_278 = arith.addf %scan3A_233, %mul3A_277 : vector<16xf32>
        %get3A_279 = arith.index_cast %scan3A_226 : i32 to index
        %get3A_280 = arith.constant 48 : index
        %get3A_281 = tpu.vector_load %arg12[%get3A_279, %get3A_280] {strides = array<i32>} : memref<128x128xi32, #tpu.memory_space<vmem>>, vector<16xi32>,
        %shift_left3A_282 = arith.constant 16 : i32
        %shift_left3A_283 = vector.broadcast %shift_left3A_282 : i32 to vector<16xi32>
        %shift_left3A_284 = arith.shli %get3A_281, %shift_left3A_283 : vector<16xi32>
        %bitcast3A_285 = vector.bitcast %shift_left3A_284 : vector<16xi32> to vector<16xf32>
        %and3A_286 = arith.constant -65536 : i32
        %and3A_287 = vector.broadcast %and3A_286 : i32 to vector<16xi32>
        %and3A_288 = arith.andi %get3A_281, %and3A_287 : vector<16xi32>
        %bitcast3A_289 = vector.bitcast %and3A_288 : vector<16xi32> to vector<16xf32>
        %mul3A_290 = arith.mulf %gather3A, %bitcast3A_285 : vector<16xf32>
        %add3A_291 = arith.addf %scan3A_230, %mul3A_290 : vector<16xf32>
        %mul3A_292 = arith.mulf %gather3A, %bitcast3A_289 : vector<16xf32>
        %add3A_293 = arith.addf %scan3A_234, %mul3A_292 : vector<16xf32>
        %get3A_294 = arith.index_cast %scan3A_226 : i32 to index
        %get3A_295 = arith.constant 64 : index
        %get3A_296 = tpu.vector_load %arg12[%get3A_294, %get3A_295] {strides = array<i32>} : memref<128x128xi32, #tpu.memory_space<vmem>>, vector<16xi32>,
        %shift_left3A_297 = arith.constant 16 : i32
        %shift_left3A_298 = vector.broadcast %shift_left3A_297 : i32 to vector<16xi32>
        %shift_left3A_299 = arith.shli %get3A_296, %shift_left3A_298 : vector<16xi32>
        %bitcast3A_300 = vector.bitcast %shift_left3A_299 : vector<16xi32> to vector<16xf32>
        %and3A_301 = arith.constant -65536 : i32
        %and3A_302 = vector.broadcast %and3A_301 : i32 to vector<16xi32>
        %and3A_303 = arith.andi %get3A_296, %and3A_302 : vector<16xi32>
        %bitcast3A_304 = vector.bitcast %and3A_303 : vector<16xi32> to vector<16xf32>
        %mul3A_305 = arith.mulf %gather3A_236, %bitcast3A_300 : vector<16xf32>
        %add3A_306 = arith.addf %add3A_246, %mul3A_305 : vector<16xf32>
        %mul3A_307 = arith.mulf %gather3A_236, %bitcast3A_304 : vector<16xf32>
        %add3A_308 = arith.addf %add3A_248, %mul3A_307 : vector<16xf32>
        %get3A_309 = arith.index_cast %scan3A_226 : i32 to index
        %get3A_310 = arith.constant 80 : index
        %get3A_311 = tpu.vector_load %arg12[%get3A_309, %get3A_310] {strides = array<i32>} : memref<128x128xi32, #tpu.memory_space<vmem>>, vector<16xi32>,
        %shift_left3A_312 = arith.constant 16 : i32
        %shift_left3A_313 = vector.broadcast %shift_left3A_312 : i32 to vector<16xi32>
        %shift_left3A_314 = arith.shli %get3A_311, %shift_left3A_313 : vector<16xi32>
        %bitcast3A_315 = vector.bitcast %shift_left3A_314 : vector<16xi32> to vector<16xf32>
        %and3A_316 = arith.constant -65536 : i32
        %and3A_317 = vector.broadcast %and3A_316 : i32 to vector<16xi32>
        %and3A_318 = arith.andi %get3A_311, %and3A_317 : vector<16xi32>
        %bitcast3A_319 = vector.bitcast %and3A_318 : vector<16xi32> to vector<16xf32>
        %mul3A_320 = arith.mulf %gather3A_236, %bitcast3A_315 : vector<16xf32>
        %add3A_321 = arith.addf %add3A_261, %mul3A_320 : vector<16xf32>
        %mul3A_322 = arith.mulf %gather3A_236, %bitcast3A_319 : vector<16xf32>
        %add3A_323 = arith.addf %add3A_263, %mul3A_322 : vector<16xf32>
        %get3A_324 = arith.index_cast %scan3A_226 : i32 to index
        %get3A_325 = arith.constant 96 : index
        %get3A_326 = tpu.vector_load %arg12[%get3A_324, %get3A_325] {strides = array<i32>} : memref<128x128xi32, #tpu.memory_space<vmem>>, vector<16xi32>,
        %shift_left3A_327 = arith.constant 16 : i32
        %shift_left3A_328 = vector.broadcast %shift_left3A_327 : i32 to vector<16xi32>
        %shift_left3A_329 = arith.shli %get3A_326, %shift_left3A_328 : vector<16xi32>
        %bitcast3A_330 = vector.bitcast %shift_left3A_329 : vector<16xi32> to vector<16xf32>
        %and3A_331 = arith.constant -65536 : i32
        %and3A_332 = vector.broadcast %and3A_331 : i32 to vector<16xi32>
        %and3A_333 = arith.andi %get3A_326, %and3A_332 : vector<16xi32>
        %bitcast3A_334 = vector.bitcast %and3A_333 : vector<16xi32> to vector<16xf32>
        %mul3A_335 = arith.mulf %gather3A_236, %bitcast3A_330 : vector<16xf32>
        %add3A_336 = arith.addf %add3A_276, %mul3A_335 : vector<16xf32>
        %mul3A_337 = arith.mulf %gather3A_236, %bitcast3A_334 : vector<16xf32>
        %add3A_338 = arith.addf %add3A_278, %mul3A_337 : vector<16xf32>
        %get3A_339 = arith.index_cast %scan3A_226 : i32 to index
        %get3A_340 = arith.constant 112 : index
        %get3A_341 = tpu.vector_load %arg12[%get3A_339, %get3A_340] {strides = array<i32>} : memref<128x128xi32, #tpu.memory_space<vmem>>, vector<16xi32>,
        %shift_left3A_342 = arith.constant 16 : i32
        %shift_left3A_343 = vector.broadcast %shift_left3A_342 : i32 to vector<16xi32>
        %shift_left3A_344 = arith.shli %get3A_341, %shift_left3A_343 : vector<16xi32>
        %bitcast3A_345 = vector.bitcast %shift_left3A_344 : vector<16xi32> to vector<16xf32>
        %and3A_346 = arith.constant -65536 : i32
        %and3A_347 = vector.broadcast %and3A_346 : i32 to vector<16xi32>
        %and3A_348 = arith.andi %get3A_341, %and3A_347 : vector<16xi32>
        %bitcast3A_349 = vector.bitcast %and3A_348 : vector<16xi32> to vector<16xf32>
        %mul3A_350 = arith.mulf %gather3A_236, %bitcast3A_345 : vector<16xf32>
        %add3A_351 = arith.addf %add3A_291, %mul3A_350 : vector<16xf32>
        %mul3A_352 = arith.mulf %gather3A_236, %bitcast3A_349 : vector<16xf32>
        %add3A_353 = arith.addf %add3A_293, %mul3A_352 : vector<16xf32>
        scf.yield %add3A_306, %add3A_321, %add3A_336, %add3A_351, %add3A_308, %add3A_323, %add3A_338, %add3A_353 : vector<16xf32>, vector<16xf32>, vector<16xf32>, vector<16xf32>, vector<16xf32>, vector<16xf32>, vector<16xf32>, vector<16xf32>
      }
      %scan3A_164 = arith.constant 128 : i32
      %add3A_165 = arith.addi %mul3A_2, %add3A_126 : i32
      %sub3A = arith.constant 1 : i32
      %sub3A_166 = arith.subi %add3A_165, %sub3A : i32
      %dma_wait3A_167 = arith.constant 0 : i32
      %dma_wait3A_168 = arith.constant 0 : i32
      %dma_wait3A_169 = tpu.memref_slice %arg14[%dma_wait3A_167, %dma_wait3A_168] : memref<2x128xf32, #tpu.memory_space<vmem>> -> memref<1x128xf32, #tpu.memory_space<vmem>>
      %dma_wait3A_170 = tpu.memref_squeeze %dma_wait3A_169 : memref<1x128xf32, #tpu.memory_space<vmem>> -> memref<128xf32, #tpu.memory_space<vmem>>
      %dma_wait3A_171 = arith.constant 0 : i32
      %dma_wait3A_172 = tpu.memref_slice %arg7[%sub3A_166, %dma_wait3A_171] : memref<4096x128xf32, #tpu.memory_space<hbm>> -> memref<1x128xf32, #tpu.memory_space<hbm>>
      %dma_wait3A_173 = tpu.memref_squeeze %dma_wait3A_172 : memref<1x128xf32, #tpu.memory_space<hbm>> -> memref<128xf32, #tpu.memory_space<hbm>>
      %dma_wait3A_174 = arith.constant 0 : i32
      %dma_wait3A_175 = tpu.memref_slice %arg7[%sub3A_166, %dma_wait3A_174] : memref<4096x128xf32, #tpu.memory_space<hbm>> -> memref<1x128xf32, #tpu.memory_space<hbm>>
      %dma_wait3A_176 = tpu.memref_squeeze %dma_wait3A_175 : memref<1x128xf32, #tpu.memory_space<hbm>> -> memref<128xf32, #tpu.memory_space<hbm>>
      %dma_wait3A_177 = arith.constant 0 : i32
      %dma_wait3A_178 = tpu.memref_slice %arg14[%dma_wait3A_167, %dma_wait3A_177] : memref<2x128xf32, #tpu.memory_space<vmem>> -> memref<1x128xf32, #tpu.memory_space<vmem>>
      %dma_wait3A_179 = tpu.memref_squeeze %dma_wait3A_178 : memref<1x128xf32, #tpu.memory_space<vmem>> -> memref<128xf32, #tpu.memory_space<vmem>>
      tpu.wait_dma2 semaphore(%arg17 : memref<!tpu.dma_semaphore, #tpu.memory_space<semaphore_mem>>) src(%dma_wait3A_179 : memref<128xf32, #tpu.memory_space<vmem>>) dst(%dma_wait3A_176 : memref<128xf32, #tpu.memory_space<hbm>>)
      %swap3A_180 = arith.constant 1 : i32
      %swap3A_181 = arith.index_cast %swap3A_180 : i32 to index
      %swap3A_182 = arith.constant 0 : index
      %swap3A_183 = tpu.vector_load %arg14[%swap3A_181, %swap3A_182] {strides = array<i32>} : memref<2x128xf32, #tpu.memory_space<vmem>>, vector<16xf32>,
      tpu.vector_store %arg14[%swap3A_181, %swap3A_182], %scan3A_163#0 {strides = array<i32>} : memref<2x128xf32, #tpu.memory_space<vmem>>, vector<16xf32>,
      %swap3A_184 = arith.constant 1 : i32
      %swap3A_185 = arith.index_cast %swap3A_184 : i32 to index
      %swap3A_186 = arith.constant 16 : index
      %swap3A_187 = tpu.vector_load %arg14[%swap3A_185, %swap3A_186] {strides = array<i32>} : memref<2x128xf32, #tpu.memory_space<vmem>>, vector<16xf32>,
      tpu.vector_store %arg14[%swap3A_185, %swap3A_186], %scan3A_163#1 {strides = array<i32>} : memref<2x128xf32, #tpu.memory_space<vmem>>, vector<16xf32>,
      %swap3A_188 = arith.constant 1 : i32
      %swap3A_189 = arith.index_cast %swap3A_188 : i32 to index
      %swap3A_190 = arith.constant 32 : index
      %swap3A_191 = tpu.vector_load %arg14[%swap3A_189, %swap3A_190] {strides = array<i32>} : memref<2x128xf32, #tpu.memory_space<vmem>>, vector<16xf32>,
      tpu.vector_store %arg14[%swap3A_189, %swap3A_190], %scan3A_163#2 {strides = array<i32>} : memref<2x128xf32, #tpu.memory_space<vmem>>, vector<16xf32>,
      %swap3A_192 = arith.constant 1 : i32
      %swap3A_193 = arith.index_cast %swap3A_192 : i32 to index
      %swap3A_194 = arith.constant 48 : index
      %swap3A_195 = tpu.vector_load %arg14[%swap3A_193, %swap3A_194] {strides = array<i32>} : memref<2x128xf32, #tpu.memory_space<vmem>>, vector<16xf32>,
      tpu.vector_store %arg14[%swap3A_193, %swap3A_194], %scan3A_163#3 {strides = array<i32>} : memref<2x128xf32, #tpu.memory_space<vmem>>, vector<16xf32>,
      %swap3A_196 = arith.constant 1 : i32
      %swap3A_197 = arith.index_cast %swap3A_196 : i32 to index
      %swap3A_198 = arith.constant 64 : index
      %swap3A_199 = tpu.vector_load %arg14[%swap3A_197, %swap3A_198] {strides = array<i32>} : memref<2x128xf32, #tpu.memory_space<vmem>>, vector<16xf32>,
      tpu.vector_store %arg14[%swap3A_197, %swap3A_198], %scan3A_163#4 {strides = array<i32>} : memref<2x128xf32, #tpu.memory_space<vmem>>, vector<16xf32>,
      %swap3A_200 = arith.constant 1 : i32
      %swap3A_201 = arith.index_cast %swap3A_200 : i32 to index
      %swap3A_202 = arith.constant 80 : index
      %swap3A_203 = tpu.vector_load %arg14[%swap3A_201, %swap3A_202] {strides = array<i32>} : memref<2x128xf32, #tpu.memory_space<vmem>>, vector<16xf32>,
      tpu.vector_store %arg14[%swap3A_201, %swap3A_202], %scan3A_163#5 {strides = array<i32>} : memref<2x128xf32, #tpu.memory_space<vmem>>, vector<16xf32>,
      %swap3A_204 = arith.constant 1 : i32
      %swap3A_205 = arith.index_cast %swap3A_204 : i32 to index
      %swap3A_206 = arith.constant 96 : index
      %swap3A_207 = tpu.vector_load %arg14[%swap3A_205, %swap3A_206] {strides = array<i32>} : memref<2x128xf32, #tpu.memory_space<vmem>>, vector<16xf32>,
      tpu.vector_store %arg14[%swap3A_205, %swap3A_206], %scan3A_163#6 {strides = array<i32>} : memref<2x128xf32, #tpu.memory_space<vmem>>, vector<16xf32>,
      %swap3A_208 = arith.constant 1 : i32
      %swap3A_209 = arith.index_cast %swap3A_208 : i32 to index
      %swap3A_210 = arith.constant 112 : index
      %swap3A_211 = tpu.vector_load %arg14[%swap3A_209, %swap3A_210] {strides = array<i32>} : memref<2x128xf32, #tpu.memory_space<vmem>>, vector<16xf32>,
      tpu.vector_store %arg14[%swap3A_209, %swap3A_210], %scan3A_163#7 {strides = array<i32>} : memref<2x128xf32, #tpu.memory_space<vmem>>, vector<16xf32>,
      %add3A_212 = arith.addi %mul3A_2, %add3A_126 : i32
      %dma_start3A_213 = arith.constant 1 : i32
      %dma_start3A_214 = arith.constant 0 : i32
      %dma_start3A_215 = tpu.memref_slice %arg14[%dma_start3A_213, %dma_start3A_214] : memref<2x128xf32, #tpu.memory_space<vmem>> -> memref<1x128xf32, #tpu.memory_space<vmem>>
      %dma_start3A_216 = tpu.memref_squeeze %dma_start3A_215 : memref<1x128xf32, #tpu.memory_space<vmem>> -> memref<128xf32, #tpu.memory_space<vmem>>
      %dma_start3A_217 = arith.constant 0 : i32
      %dma_start3A_218 = tpu.memref_slice %arg7[%add3A_212, %dma_start3A_217] : memref<4096x128xf32, #tpu.memory_space<hbm>> -> memref<1x128xf32, #tpu.memory_space<hbm>>
      %dma_start3A_219 = tpu.memref_squeeze %dma_start3A_218 : memref<1x128xf32, #tpu.memory_space<hbm>> -> memref<128xf32, #tpu.memory_space<hbm>>
      %dma_start3A_220 = arith.constant 0 : i32
      %dma_start3A_221 = tpu.memref_slice %arg7[%add3A_212, %dma_start3A_220] : memref<4096x128xf32, #tpu.memory_space<hbm>> -> memref<1x128xf32, #tpu.memory_space<hbm>>
      %dma_start3A_222 = tpu.memref_squeeze %dma_start3A_221 : memref<1x128xf32, #tpu.memory_space<hbm>> -> memref<128xf32, #tpu.memory_space<hbm>>
      %dma_start3A_223 = arith.constant 0 : i32
      %dma_start3A_224 = tpu.memref_slice %arg14[%dma_start3A_213, %dma_start3A_223] : memref<2x128xf32, #tpu.memory_space<vmem>> -> memref<1x128xf32, #tpu.memory_space<vmem>>
      %dma_start3A_225 = tpu.memref_squeeze %dma_start3A_224 : memref<1x128xf32, #tpu.memory_space<vmem>> -> memref<128xf32, #tpu.memory_space<vmem>>
      tpu.enqueue_dma source(%dma_start3A_225 : memref<128xf32, #tpu.memory_space<vmem>>) target(%dma_start3A_222 : memref<128xf32, #tpu.memory_space<hbm>>) target_semaphore(%arg17 : memref<!tpu.dma_semaphore, #tpu.memory_space<semaphore_mem>>)
    }
    %scan3A_13 = arith.constant 64 : i32
    %add3A_14 = arith.constant 127 : i32
    %add3A_15 = arith.addi %mul3A_2, %add3A_14 : i32
    %dma_wait3A = arith.constant 1 : i32
    %dma_wait3A_16 = arith.constant 0 : i32
    %dma_wait3A_17 = tpu.memref_slice %arg14[%dma_wait3A, %dma_wait3A_16] : memref<2x128xf32, #tpu.memory_space<vmem>> -> memref<1x128xf32, #tpu.memory_space<vmem>>
    %dma_wait3A_18 = tpu.memref_squeeze %dma_wait3A_17 : memref<1x128xf32, #tpu.memory_space<vmem>> -> memref<128xf32, #tpu.memory_space<vmem>>
    %dma_wait3A_19 = arith.constant 0 : i32
    %dma_wait3A_20 = tpu.memref_slice %arg7[%add3A_15, %dma_wait3A_19] : memref<4096x128xf32, #tpu.memory_space<hbm>> -> memref<1x128xf32, #tpu.memory_space<hbm>>
    %dma_wait3A_21 = tpu.memref_squeeze %dma_wait3A_20 : memref<1x128xf32, #tpu.memory_space<hbm>> -> memref<128xf32, #tpu.memory_space<hbm>>
    %dma_wait3A_22 = arith.constant 0 : i32
    %dma_wait3A_23 = tpu.memref_slice %arg7[%add3A_15, %dma_wait3A_22] : memref<4096x128xf32, #tpu.memory_space<hbm>> -> memref<1x128xf32, #tpu.memory_space<hbm>>
    %dma_wait3A_24 = tpu.memref_squeeze %dma_wait3A_23 : memref<1x128xf32, #tpu.memory_space<hbm>> -> memref<128xf32, #tpu.memory_space<hbm>>
    %dma_wait3A_25 = arith.constant 0 : i32
    %dma_wait3A_26 = tpu.memref_slice %arg14[%dma_wait3A, %dma_wait3A_25] : memref<2x128xf32, #tpu.memory_space<vmem>> -> memref<1x128xf32, #tpu.memory_space<vmem>>
    %dma_wait3A_27 = tpu.memref_squeeze %dma_wait3A_26 : memref<1x128xf32, #tpu.memory_space<vmem>> -> memref<128xf32, #tpu.memory_space<vmem>>
    tpu.wait_dma2 semaphore(%arg17 : memref<!tpu.dma_semaphore, #tpu.memory_space<semaphore_mem>>) src(%dma_wait3A_27 : memref<128xf32, #tpu.memory_space<vmem>>) dst(%dma_wait3A_24 : memref<128xf32, #tpu.memory_space<hbm>>)
    %dma_wait3A_28 = arith.constant 127 : i32
    %dma_wait3A_29 = arith.constant 0 : i32
    %dma_wait3A_30 = tpu.memref_slice %arg8[%dma_wait3A_28, %dma_wait3A_29] : memref<128x128xi32, #tpu.memory_space<vmem>> -> memref<1x128xi32, #tpu.memory_space<vmem>>
    %dma_wait3A_31 = tpu.memref_squeeze %dma_wait3A_30 : memref<1x128xi32, #tpu.memory_space<vmem>> -> memref<128xi32, #tpu.memory_space<vmem>>
    %dma_wait3A_32 = arith.constant 0 : i32
    %dma_wait3A_33 = arith.constant 0 : i32
    %dma_wait3A_34 = tpu.memref_slice %arg2[%dma_wait3A_32, %dma_wait3A_33] : memref<65536x128xi32, #tpu.memory_space<hbm>> -> memref<65536x128xi32, #tpu.memory_space<hbm>>
    tpu.wait_indirect_dma semaphore(%arg15 : memref<!tpu.dma_semaphore, #tpu.memory_space<semaphore_mem>>) src(%dma_wait3A_34 : memref<65536x128xi32, #tpu.memory_space<hbm>>) dst(%arg11 : memref<128x128xi32, #tpu.memory_space<vmem>>)
    return
  }
}

module attributes {stable_mosaic.version = 14 : i64} {
  func.func @_weights_body(%arg0: i32, %arg1: memref<512x64xf32, #tpu.memory_space<vmem>>, %arg2: memref<512x128xi32, #tpu.memory_space<vmem>>, %arg3: memref<512x128xf32, #tpu.memory_space<vmem>>, %arg4: memref<512x128xf32, #tpu.memory_space<vmem>>) attributes {dimension_semantics = [#tpu.dimension_semantics<arbitrary>], iteration_bounds = array<i64: 8>, scalar_prefetch = 0 : i64, scratch_operands = 0 : i64, tpu.core_type = #tpu.core_type<tc>, window_params = [{transform_indices = @transform_0, window_bounds = array<i64: 512, 64>}, {transform_indices = @transform_1, window_bounds = array<i64: 512, 128>}, {transform_indices = @transform_2, window_bounds = array<i64: 512, 128>}, {transform_indices = @transform_3, window_bounds = array<i64: 512, 128>}]} {
    %get3A = arith.constant 0 : index
    %get3A_0 = arith.constant 0 : index
    %get3A_1 = vector.load %arg1[%get3A, %get3A_0] : memref<512x64xf32, #tpu.memory_space<vmem>>, vector<512x64xf32>
    %jit3A = arith.constant 0.000000e+00 : f32
    %jit3A_2 = arith.constant 1.000000e+00 : f32
    %max3A = vector.broadcast %jit3A : f32 to vector<512x64xf32>
    %max3A_3 = arith.maximumf %max3A, %get3A_1 : vector<512x64xf32>
    %min3A = vector.broadcast %jit3A_2 : f32 to vector<512x64xf32>
    %min3A_4 = arith.minimumf %min3A, %max3A_3 : vector<512x64xf32>
    %div3A = arith.constant 9.77517105E-4 : f32
    %div3A_5 = vector.broadcast %div3A : f32 to vector<512x64xf32>
    %div3A_6 = arith.divf %min3A_4, %div3A_5 : vector<512x64xf32>
    %floor3A = math.floor %div3A_6 : vector<512x64xf32>
    %convert_element_type3A = arith.fptosi %floor3A : vector<512x64xf32> to vector<512x64xi32>
    %jit3A_7 = arith.constant 0 : i32
    %jit3A_8 = arith.constant 1022 : i32
    %max3A_9 = vector.broadcast %jit3A_7 : i32 to vector<512x64xi32>
    %max3A_10 = arith.maxsi %max3A_9, %convert_element_type3A : vector<512x64xi32>
    %min3A_11 = vector.broadcast %jit3A_8 : i32 to vector<512x64xi32>
    %min3A_12 = arith.minsi %min3A_11, %max3A_10 : vector<512x64xi32>
    %convert_element_type3A_13 = arith.sitofp %min3A_12 : vector<512x64xi32> to vector<512x64xf32>
    %mul3A = arith.constant 9.77517105E-4 : f32
    %mul3A_14 = vector.broadcast %mul3A : f32 to vector<512x64xf32>
    %mul3A_15 = arith.mulf %convert_element_type3A_13, %mul3A_14 : vector<512x64xf32>
    %sub3A = arith.subf %min3A_4, %mul3A_15 : vector<512x64xf32>
    %div3A_16 = arith.constant 9.77517105E-4 : f32
    %div3A_17 = vector.broadcast %div3A_16 : f32 to vector<512x64xf32>
    %div3A_18 = arith.divf %sub3A, %div3A_17 : vector<512x64xf32>
    %mul3A_19 = arith.mulf %div3A_18, %div3A_18 : vector<512x64xf32>
    %mul3A_20 = arith.mulf %mul3A_19, %div3A_18 : vector<512x64xf32>
    %mul3A_21 = arith.constant 2.000000e+00 : f32
    %mul3A_22 = vector.broadcast %mul3A_21 : f32 to vector<512x64xf32>
    %mul3A_23 = arith.mulf %mul3A_22, %mul3A_20 : vector<512x64xf32>
    %mul3A_24 = arith.constant 3.000000e+00 : f32
    %mul3A_25 = vector.broadcast %mul3A_24 : f32 to vector<512x64xf32>
    %mul3A_26 = arith.mulf %mul3A_25, %mul3A_19 : vector<512x64xf32>
    %sub3A_27 = arith.subf %mul3A_23, %mul3A_26 : vector<512x64xf32>
    %add3A = arith.constant 1.000000e+00 : f32
    %add3A_28 = vector.broadcast %add3A : f32 to vector<512x64xf32>
    %add3A_29 = arith.addf %sub3A_27, %add3A_28 : vector<512x64xf32>
    %mul3A_30 = arith.constant 2.000000e+00 : f32
    %mul3A_31 = vector.broadcast %mul3A_30 : f32 to vector<512x64xf32>
    %mul3A_32 = arith.mulf %mul3A_31, %mul3A_19 : vector<512x64xf32>
    %sub3A_33 = arith.subf %mul3A_20, %mul3A_32 : vector<512x64xf32>
    %add3A_34 = arith.addf %sub3A_33, %div3A_18 : vector<512x64xf32>
    %mul3A_35 = arith.constant -2.000000e+00 : f32
    %mul3A_36 = vector.broadcast %mul3A_35 : f32 to vector<512x64xf32>
    %mul3A_37 = arith.mulf %mul3A_36, %mul3A_20 : vector<512x64xf32>
    %mul3A_38 = arith.constant 3.000000e+00 : f32
    %mul3A_39 = vector.broadcast %mul3A_38 : f32 to vector<512x64xf32>
    %mul3A_40 = arith.mulf %mul3A_39, %mul3A_19 : vector<512x64xf32>
    %add3A_41 = arith.addf %mul3A_37, %mul3A_40 : vector<512x64xf32>
    %sub3A_42 = arith.subf %mul3A_20, %mul3A_19 : vector<512x64xf32>
    %iota3A = tpu.iota {dimensions = array<i32: 1>} : vector<512x64xi32>
    %mul3A_43 = arith.constant 1024 : i32
    %mul3A_44 = vector.broadcast %mul3A_43 : i32 to vector<512x64xi32>
    %mul3A_45 = arith.muli %iota3A, %mul3A_44 : vector<512x64xi32>
    %add3A_46 = arith.addi %mul3A_45, %min3A_12 : vector<512x64xi32>
    %add3A_47 = arith.constant 1 : i32
    %add3A_48 = vector.broadcast %add3A_47 : i32 to vector<512x64xi32>
    %add3A_49 = arith.addi %add3A_46, %add3A_48 : vector<512x64xi32>
    %concatenate3A = tpu.concatenate %add3A_46, %add3A_49 in 1 : vector<512x64xi32>, vector<512x64xi32> -> vector<512x128xi32>
    %swap3A = arith.constant 0 : index
    %swap3A_50 = arith.constant 0 : index
    %swap3A_51 = vector.load %arg2[%swap3A, %swap3A_50] : memref<512x128xi32, #tpu.memory_space<vmem>>, vector<512x128xi32>
    tpu.vector_store %arg2[%swap3A, %swap3A_50], %concatenate3A {strides = array<i32>} : memref<512x128xi32, #tpu.memory_space<vmem>>, vector<512x128xi32>,
    %concatenate3A_52 = tpu.concatenate %add3A_29, %add3A_41 in 1 : vector<512x64xf32>, vector<512x64xf32> -> vector<512x128xf32>
    %swap3A_53 = arith.constant 0 : index
    %swap3A_54 = arith.constant 0 : index
    %swap3A_55 = vector.load %arg3[%swap3A_53, %swap3A_54] : memref<512x128xf32, #tpu.memory_space<vmem>>, vector<512x128xf32>
    tpu.vector_store %arg3[%swap3A_53, %swap3A_54], %concatenate3A_52 {strides = array<i32>} : memref<512x128xf32, #tpu.memory_space<vmem>>, vector<512x128xf32>,
    %mul3A_56 = arith.constant 9.77517105E-4 : f32
    %mul3A_57 = vector.broadcast %mul3A_56 : f32 to vector<512x64xf32>
    %mul3A_58 = arith.mulf %mul3A_57, %add3A_34 : vector<512x64xf32>
    %mul3A_59 = arith.constant 9.77517105E-4 : f32
    %mul3A_60 = vector.broadcast %mul3A_59 : f32 to vector<512x64xf32>
    %mul3A_61 = arith.mulf %mul3A_60, %sub3A_42 : vector<512x64xf32>
    %concatenate3A_62 = tpu.concatenate %mul3A_58, %mul3A_61 in 1 : vector<512x64xf32>, vector<512x64xf32> -> vector<512x128xf32>
    %swap3A_63 = arith.constant 0 : index
    %swap3A_64 = arith.constant 0 : index
    %swap3A_65 = vector.load %arg4[%swap3A_63, %swap3A_64] : memref<512x128xf32, #tpu.memory_space<vmem>>, vector<512x128xf32>
    tpu.vector_store %arg4[%swap3A_63, %swap3A_64], %concatenate3A_62 {strides = array<i32>} : memref<512x128xf32, #tpu.memory_space<vmem>>, vector<512x128xf32>,
    return
  }
  func.func @transform_0(%arg0: i32) -> (i32, i32) {
    %c0_i32 = arith.constant 0 : i32
    %c0_i32_0 = arith.constant 0 : i32
    return %arg0, %c0_i32 : i32, i32
  }
  func.func @transform_1(%arg0: i32) -> (i32, i32) {
    %c0_i32 = arith.constant 0 : i32
    %c0_i32_0 = arith.constant 0 : i32
    return %arg0, %c0_i32 : i32, i32
  }
  func.func @transform_2(%arg0: i32) -> (i32, i32) {
    %c0_i32 = arith.constant 0 : i32
    %c0_i32_0 = arith.constant 0 : i32
    return %arg0, %c0_i32 : i32, i32
  }
  func.func @transform_3(%arg0: i32) -> (i32, i32) {
    %c0_i32 = arith.constant 0 : i32
    %c0_i32_0 = arith.constant 0 : i32
    return %arg0, %c0_i32 : i32, i32
  }
}

module attributes {stable_mosaic.version = 14 : i64} {
  func.func @_table_body(%arg0: i32, %arg1: memref<128x1024xf32, #tpu.memory_space<vmem>>, %arg2: memref<1x1024xf32, #tpu.memory_space<vmem>>, %arg3: memref<1024x128xi32, #tpu.memory_space<vmem>>) attributes {dimension_semantics = [#tpu.dimension_semantics<arbitrary>], iteration_bounds = array<i64: 64>, scalar_prefetch = 0 : i64, scratch_operands = 0 : i64, tpu.core_type = #tpu.core_type<tc>, window_params = [{transform_indices = @transform_0, window_bounds = array<i64: 128, 1024>}, {pipeline_mode = #tpu.pipeline_mode<synchronous>, transform_indices = @transform_1, window_bounds = array<i64: 1, 1024>}, {transform_indices = @transform_2, window_bounds = array<i64: 1024, 128>}]} {
    %get3A = arith.constant 0 : index
    %get3A_0 = arith.constant 0 : index
    %get3A_1 = vector.load %arg1[%get3A, %get3A_0] : memref<128x1024xf32, #tpu.memory_space<vmem>>, vector<128x1024xf32>
    %get3A_2 = arith.constant 0 : index
    %get3A_3 = arith.constant 0 : index
    %get3A_4 = vector.load %arg2[%get3A_2, %get3A_3] : memref<1x1024xf32, #tpu.memory_space<vmem>>, vector<1x1024xf32>
    %slice3A = vector.extract_strided_slice %get3A_4 {offsets = [0, 1], sizes = [1, 1023], strides = [1, 1]} : vector<1x1024xf32> to vector<1x1023xf32>
    %slice3A_5 = vector.extract_strided_slice %get3A_4 {offsets = [0, 0], sizes = [1, 1023], strides = [1, 1]} : vector<1x1024xf32> to vector<1x1023xf32>
    %sub3A = arith.subf %slice3A, %slice3A_5 : vector<1x1023xf32>
    %add3A = arith.constant 9.99999996E-13 : f32
    %add3A_6 = vector.broadcast %add3A : f32 to vector<1x1023xf32>
    %add3A_7 = arith.addf %sub3A, %add3A_6 : vector<1x1023xf32>
    %div3A = arith.constant 1.000000e+00 : f32
    %div3A_8 = vector.broadcast %div3A : f32 to vector<1x1023xf32>
    %div3A_9 = arith.divf %div3A_8, %add3A_7 : vector<1x1023xf32>
    %slice3A_10 = vector.extract_strided_slice %get3A_1 {offsets = [0, 1], sizes = [128, 1023], strides = [1, 1]} : vector<128x1024xf32> to vector<128x1023xf32>
    %slice3A_11 = vector.extract_strided_slice %get3A_1 {offsets = [0, 0], sizes = [128, 1023], strides = [1, 1]} : vector<128x1024xf32> to vector<128x1023xf32>
    %sub3A_12 = arith.subf %slice3A_10, %slice3A_11 : vector<128x1023xf32>
    %mul3A = vector.broadcast %div3A_9 : vector<1x1023xf32> to vector<128x1023xf32>
    %mul3A_13 = arith.mulf %sub3A_12, %mul3A : vector<128x1023xf32>
    %slice3A_14 = vector.extract_strided_slice %sub3A {offsets = [0, 0], sizes = [1, 1022], strides = [1, 1]} : vector<1x1023xf32> to vector<1x1022xf32>
    %slice3A_15 = vector.extract_strided_slice %sub3A {offsets = [0, 1], sizes = [1, 1022], strides = [1, 1]} : vector<1x1023xf32> to vector<1x1022xf32>
    %mul3A_16 = arith.constant 2.000000e+00 : f32
    %mul3A_17 = vector.broadcast %mul3A_16 : f32 to vector<1x1022xf32>
    %mul3A_18 = arith.mulf %mul3A_17, %slice3A_15 : vector<1x1022xf32>
    %add3A_19 = arith.addf %mul3A_18, %slice3A_14 : vector<1x1022xf32>
    %mul3A_20 = arith.constant 2.000000e+00 : f32
    %mul3A_21 = vector.broadcast %mul3A_20 : f32 to vector<1x1022xf32>
    %mul3A_22 = arith.mulf %mul3A_21, %slice3A_14 : vector<1x1022xf32>
    %add3A_23 = arith.addf %slice3A_15, %mul3A_22 : vector<1x1022xf32>
    %slice3A_24 = vector.extract_strided_slice %mul3A_13 {offsets = [0, 0], sizes = [128, 1022], strides = [1, 1]} : vector<128x1023xf32> to vector<128x1022xf32>
    %slice3A_25 = vector.extract_strided_slice %mul3A_13 {offsets = [0, 1], sizes = [128, 1022], strides = [1, 1]} : vector<128x1023xf32> to vector<128x1022xf32>
    %mul3A_26 = arith.mulf %slice3A_24, %slice3A_25 : vector<128x1022xf32>
    %gt3A = arith.constant 0.000000e+00 : f32
    %gt3A_27 = vector.broadcast %gt3A : f32 to vector<128x1022xf32>
    %gt3A_28 = arith.cmpf ogt, %mul3A_26, %gt3A_27 : vector<128x1022xf32>
    %add3A_29 = arith.constant 9.99999996E-13 : f32
    %add3A_30 = vector.broadcast %add3A_29 : f32 to vector<128x1022xf32>
    %add3A_31 = arith.addf %slice3A_24, %add3A_30 : vector<128x1022xf32>
    %div3A_32 = vector.broadcast %add3A_19 : vector<1x1022xf32> to vector<128x1022xf32>
    %div3A_33 = arith.divf %div3A_32, %add3A_31 : vector<128x1022xf32>
    %add3A_34 = arith.constant 9.99999996E-13 : f32
    %add3A_35 = vector.broadcast %add3A_34 : f32 to vector<128x1022xf32>
    %add3A_36 = arith.addf %slice3A_25, %add3A_35 : vector<128x1022xf32>
    %div3A_37 = vector.broadcast %add3A_23 : vector<1x1022xf32> to vector<128x1022xf32>
    %div3A_38 = arith.divf %div3A_37, %add3A_36 : vector<128x1022xf32>
    %add3A_39 = arith.addf %div3A_33, %div3A_38 : vector<128x1022xf32>
    %add3A_40 = arith.addf %add3A_19, %add3A_23 : vector<1x1022xf32>
    %add3A_41 = arith.constant 9.99999996E-13 : f32
    %add3A_42 = vector.broadcast %add3A_41 : f32 to vector<128x1022xf32>
    %add3A_43 = arith.addf %add3A_39, %add3A_42 : vector<128x1022xf32>
    %div3A_44 = vector.broadcast %add3A_40 : vector<1x1022xf32> to vector<128x1022xf32>
    %div3A_45 = arith.divf %div3A_44, %add3A_43 : vector<128x1022xf32>
    %broadcast_in_dim3A = arith.constant 0.000000e+00 : f32
    %broadcast_in_dim3A_46 = vector.broadcast %broadcast_in_dim3A : f32 to vector<128x1022xf32>
    %select_n3A = arith.select %gt3A_28, %div3A_45, %broadcast_in_dim3A_46 : vector<128x1022xi1>, vector<128x1022xf32>
    %slice3A_47 = vector.extract_strided_slice %sub3A {offsets = [0, 0], sizes = [1, 1], strides = [1, 1]} : vector<1x1023xf32> to vector<1x1xf32>
    %slice3A_48 = vector.extract_strided_slice %sub3A {offsets = [0, 1], sizes = [1, 1], strides = [1, 1]} : vector<1x1023xf32> to vector<1x1xf32>
    %slice3A_49 = vector.extract_strided_slice %sub3A {offsets = [0, 1022], sizes = [1, 1], strides = [1, 1]} : vector<1x1023xf32> to vector<1x1xf32>
    %slice3A_50 = vector.extract_strided_slice %sub3A {offsets = [0, 1021], sizes = [1, 1], strides = [1, 1]} : vector<1x1023xf32> to vector<1x1xf32>
    %slice3A_51 = vector.extract_strided_slice %mul3A_13 {offsets = [0, 0], sizes = [128, 1], strides = [1, 1]} : vector<128x1023xf32> to vector<128x1xf32>
    %slice3A_52 = vector.extract_strided_slice %mul3A_13 {offsets = [0, 1], sizes = [128, 1], strides = [1, 1]} : vector<128x1023xf32> to vector<128x1xf32>
    %slice3A_53 = vector.extract_strided_slice %mul3A_13 {offsets = [0, 1022], sizes = [128, 1], strides = [1, 1]} : vector<128x1023xf32> to vector<128x1xf32>
    %slice3A_54 = vector.extract_strided_slice %mul3A_13 {offsets = [0, 1021], sizes = [128, 1], strides = [1, 1]} : vector<128x1023xf32> to vector<128x1xf32>
    %mul3A_55 = arith.constant 2.000000e+00 : f32
    %mul3A_56 = vector.broadcast %mul3A_55 : f32 to vector<1x1xf32>
    %mul3A_57 = arith.mulf %mul3A_56, %slice3A_47 : vector<1x1xf32>
    %add3A_58 = arith.addf %mul3A_57, %slice3A_48 : vector<1x1xf32>
    %mul3A_59 = vector.broadcast %add3A_58 : vector<1x1xf32> to vector<128x1xf32>
    %mul3A_60 = arith.mulf %mul3A_59, %slice3A_51 : vector<128x1xf32>
    %mul3A_61 = vector.broadcast %slice3A_47 : vector<1x1xf32> to vector<128x1xf32>
    %mul3A_62 = arith.mulf %mul3A_61, %slice3A_52 : vector<128x1xf32>
    %sub3A_63 = arith.subf %mul3A_60, %mul3A_62 : vector<128x1xf32>
    %add3A_64 = arith.addf %slice3A_47, %slice3A_48 : vector<1x1xf32>
    %add3A_65 = arith.constant 9.99999996E-13 : f32
    %add3A_66 = vector.broadcast %add3A_65 : f32 to vector<1x1xf32>
    %add3A_67 = arith.addf %add3A_64, %add3A_66 : vector<1x1xf32>
    %div3A_68 = vector.broadcast %add3A_67 : vector<1x1xf32> to vector<128x1xf32>
    %div3A_69 = arith.divf %sub3A_63, %div3A_68 : vector<128x1xf32>
    %mul3A_70 = arith.constant 2.000000e+00 : f32
    %mul3A_71 = vector.broadcast %mul3A_70 : f32 to vector<1x1xf32>
    %mul3A_72 = arith.mulf %mul3A_71, %slice3A_49 : vector<1x1xf32>
    %add3A_73 = arith.addf %mul3A_72, %slice3A_50 : vector<1x1xf32>
    %mul3A_74 = vector.broadcast %add3A_73 : vector<1x1xf32> to vector<128x1xf32>
    %mul3A_75 = arith.mulf %mul3A_74, %slice3A_53 : vector<128x1xf32>
    %mul3A_76 = vector.broadcast %slice3A_49 : vector<1x1xf32> to vector<128x1xf32>
    %mul3A_77 = arith.mulf %mul3A_76, %slice3A_54 : vector<128x1xf32>
    %sub3A_78 = arith.subf %mul3A_75, %mul3A_77 : vector<128x1xf32>
    %add3A_79 = arith.addf %slice3A_49, %slice3A_50 : vector<1x1xf32>
    %add3A_80 = arith.constant 9.99999996E-13 : f32
    %add3A_81 = vector.broadcast %add3A_80 : f32 to vector<1x1xf32>
    %add3A_82 = arith.addf %add3A_79, %add3A_81 : vector<1x1xf32>
    %div3A_83 = vector.broadcast %add3A_82 : vector<1x1xf32> to vector<128x1xf32>
    %div3A_84 = arith.divf %sub3A_78, %div3A_83 : vector<128x1xf32>
    %mul3A_85 = arith.mulf %div3A_69, %slice3A_51 : vector<128x1xf32>
    %le3A = arith.constant 0.000000e+00 : f32
    %le3A_86 = vector.broadcast %le3A : f32 to vector<128x1xf32>
    %le3A_87 = arith.cmpf ole, %mul3A_85, %le3A_86 : vector<128x1xf32>
    %broadcast_in_dim3A_88 = arith.constant 0.000000e+00 : f32
    %broadcast_in_dim3A_89 = vector.broadcast %broadcast_in_dim3A_88 : f32 to vector<128x1xf32>
    %select_n3A_90 = arith.select %le3A_87, %broadcast_in_dim3A_89, %div3A_69 : vector<128x1xi1>, vector<128x1xf32>
    %abs3A = math.absf %select_n3A_90 : vector<128x1xf32>
    %abs3A_91 = math.absf %slice3A_51 : vector<128x1xf32>
    %mul3A_92 = arith.constant 3.000000e+00 : f32
    %mul3A_93 = vector.broadcast %mul3A_92 : f32 to vector<128x1xf32>
    %mul3A_94 = arith.mulf %mul3A_93, %abs3A_91 : vector<128x1xf32>
    %gt3A_95 = arith.cmpf ogt, %abs3A, %mul3A_94 : vector<128x1xf32>
    %mul3A_96 = arith.constant 3.000000e+00 : f32
    %mul3A_97 = vector.broadcast %mul3A_96 : f32 to vector<128x1xf32>
    %mul3A_98 = arith.mulf %mul3A_97, %slice3A_51 : vector<128x1xf32>
    %select_n3A_99 = arith.select %gt3A_95, %mul3A_98, %select_n3A_90 : vector<128x1xi1>, vector<128x1xf32>
    %mul3A_100 = arith.mulf %div3A_84, %slice3A_53 : vector<128x1xf32>
    %le3A_101 = arith.constant 0.000000e+00 : f32
    %le3A_102 = vector.broadcast %le3A_101 : f32 to vector<128x1xf32>
    %le3A_103 = arith.cmpf ole, %mul3A_100, %le3A_102 : vector<128x1xf32>
    %broadcast_in_dim3A_104 = arith.constant 0.000000e+00 : f32
    %broadcast_in_dim3A_105 = vector.broadcast %broadcast_in_dim3A_104 : f32 to vector<128x1xf32>
    %select_n3A_106 = arith.select %le3A_103, %broadcast_in_dim3A_105, %div3A_84 : vector<128x1xi1>, vector<128x1xf32>
    %abs3A_107 = math.absf %select_n3A_106 : vector<128x1xf32>
    %abs3A_108 = math.absf %slice3A_53 : vector<128x1xf32>
    %mul3A_109 = arith.constant 3.000000e+00 : f32
    %mul3A_110 = vector.broadcast %mul3A_109 : f32 to vector<128x1xf32>
    %mul3A_111 = arith.mulf %mul3A_110, %abs3A_108 : vector<128x1xf32>
    %gt3A_112 = arith.cmpf ogt, %abs3A_107, %mul3A_111 : vector<128x1xf32>
    %mul3A_113 = arith.constant 3.000000e+00 : f32
    %mul3A_114 = vector.broadcast %mul3A_113 : f32 to vector<128x1xf32>
    %mul3A_115 = arith.mulf %mul3A_114, %slice3A_53 : vector<128x1xf32>
    %select_n3A_116 = arith.select %gt3A_112, %mul3A_115, %select_n3A_106 : vector<128x1xi1>, vector<128x1xf32>
    %concatenate3A = tpu.concatenate %select_n3A_99, %select_n3A, %select_n3A_116 in 1 : vector<128x1xf32>, vector<128x1022xf32>, vector<128x1xf32> -> vector<128x1024xf32>
    %slice3A_117 = vector.extract_strided_slice %get3A_1 {offsets = [0, 0], sizes = [64, 1024], strides = [1, 1]} : vector<128x1024xf32> to vector<64x1024xf32>
    %slice3A_118 = vector.extract_strided_slice %get3A_1 {offsets = [64, 0], sizes = [64, 1024], strides = [1, 1]} : vector<128x1024xf32> to vector<64x1024xf32>
    %bitcast_convert_type3A = tpu.bitcast %slice3A_117 : vector<64x1024xf32> -> vector<64x1024xi32>
    %bitcast_convert_type3A_119 = tpu.bitcast %slice3A_118 : vector<64x1024xf32> -> vector<64x1024xi32>
    %add3A_120 = arith.constant 32767 : i32
    %add3A_121 = vector.broadcast %add3A_120 : i32 to vector<64x1024xi32>
    %add3A_122 = arith.addi %bitcast_convert_type3A, %add3A_121 : vector<64x1024xi32>
    %shift_right_arithmetic3A = arith.constant 16 : i32
    %shift_right_arithmetic3A_123 = vector.broadcast %shift_right_arithmetic3A : i32 to vector<64x1024xi32>
    %shift_right_arithmetic3A_124 = arith.shrsi %bitcast_convert_type3A, %shift_right_arithmetic3A_123 : vector<64x1024xi32>
    %and3A = arith.constant 1 : i32
    %and3A_125 = vector.broadcast %and3A : i32 to vector<64x1024xi32>
    %and3A_126 = arith.andi %shift_right_arithmetic3A_124, %and3A_125 : vector<64x1024xi32>
    %add3A_127 = arith.addi %add3A_122, %and3A_126 : vector<64x1024xi32>
    %add3A_128 = arith.constant 32767 : i32
    %add3A_129 = vector.broadcast %add3A_128 : i32 to vector<64x1024xi32>
    %add3A_130 = arith.addi %bitcast_convert_type3A_119, %add3A_129 : vector<64x1024xi32>
    %shift_right_arithmetic3A_131 = arith.constant 16 : i32
    %shift_right_arithmetic3A_132 = vector.broadcast %shift_right_arithmetic3A_131 : i32 to vector<64x1024xi32>
    %shift_right_arithmetic3A_133 = arith.shrsi %bitcast_convert_type3A_119, %shift_right_arithmetic3A_132 : vector<64x1024xi32>
    %and3A_134 = arith.constant 1 : i32
    %and3A_135 = vector.broadcast %and3A_134 : i32 to vector<64x1024xi32>
    %and3A_136 = arith.andi %shift_right_arithmetic3A_133, %and3A_135 : vector<64x1024xi32>
    %add3A_137 = arith.addi %add3A_130, %and3A_136 : vector<64x1024xi32>
    %shift_right_logical3A = arith.constant 16 : i32
    %shift_right_logical3A_138 = vector.broadcast %shift_right_logical3A : i32 to vector<64x1024xi32>
    %shift_right_logical3A_139 = arith.shrui %add3A_127, %shift_right_logical3A_138 : vector<64x1024xi32>
    %and3A_140 = arith.constant -65536 : i32
    %and3A_141 = vector.broadcast %and3A_140 : i32 to vector<64x1024xi32>
    %and3A_142 = arith.andi %add3A_137, %and3A_141 : vector<64x1024xi32>
    %or3A = arith.ori %shift_right_logical3A_139, %and3A_142 : vector<64x1024xi32>
    %slice3A_143 = vector.extract_strided_slice %concatenate3A {offsets = [0, 0], sizes = [64, 1024], strides = [1, 1]} : vector<128x1024xf32> to vector<64x1024xf32>
    %slice3A_144 = vector.extract_strided_slice %concatenate3A {offsets = [64, 0], sizes = [64, 1024], strides = [1, 1]} : vector<128x1024xf32> to vector<64x1024xf32>
    %bitcast_convert_type3A_145 = tpu.bitcast %slice3A_143 : vector<64x1024xf32> -> vector<64x1024xi32>
    %bitcast_convert_type3A_146 = tpu.bitcast %slice3A_144 : vector<64x1024xf32> -> vector<64x1024xi32>
    %add3A_147 = arith.constant 32767 : i32
    %add3A_148 = vector.broadcast %add3A_147 : i32 to vector<64x1024xi32>
    %add3A_149 = arith.addi %bitcast_convert_type3A_145, %add3A_148 : vector<64x1024xi32>
    %shift_right_arithmetic3A_150 = arith.constant 16 : i32
    %shift_right_arithmetic3A_151 = vector.broadcast %shift_right_arithmetic3A_150 : i32 to vector<64x1024xi32>
    %shift_right_arithmetic3A_152 = arith.shrsi %bitcast_convert_type3A_145, %shift_right_arithmetic3A_151 : vector<64x1024xi32>
    %and3A_153 = arith.constant 1 : i32
    %and3A_154 = vector.broadcast %and3A_153 : i32 to vector<64x1024xi32>
    %and3A_155 = arith.andi %shift_right_arithmetic3A_152, %and3A_154 : vector<64x1024xi32>
    %add3A_156 = arith.addi %add3A_149, %and3A_155 : vector<64x1024xi32>
    %add3A_157 = arith.constant 32767 : i32
    %add3A_158 = vector.broadcast %add3A_157 : i32 to vector<64x1024xi32>
    %add3A_159 = arith.addi %bitcast_convert_type3A_146, %add3A_158 : vector<64x1024xi32>
    %shift_right_arithmetic3A_160 = arith.constant 16 : i32
    %shift_right_arithmetic3A_161 = vector.broadcast %shift_right_arithmetic3A_160 : i32 to vector<64x1024xi32>
    %shift_right_arithmetic3A_162 = arith.shrsi %bitcast_convert_type3A_146, %shift_right_arithmetic3A_161 : vector<64x1024xi32>
    %and3A_163 = arith.constant 1 : i32
    %and3A_164 = vector.broadcast %and3A_163 : i32 to vector<64x1024xi32>
    %and3A_165 = arith.andi %shift_right_arithmetic3A_162, %and3A_164 : vector<64x1024xi32>
    %add3A_166 = arith.addi %add3A_159, %and3A_165 : vector<64x1024xi32>
    %shift_right_logical3A_167 = arith.constant 16 : i32
    %shift_right_logical3A_168 = vector.broadcast %shift_right_logical3A_167 : i32 to vector<64x1024xi32>
    %shift_right_logical3A_169 = arith.shrui %add3A_156, %shift_right_logical3A_168 : vector<64x1024xi32>
    %and3A_170 = arith.constant -65536 : i32
    %and3A_171 = vector.broadcast %and3A_170 : i32 to vector<64x1024xi32>
    %and3A_172 = arith.andi %add3A_166, %and3A_171 : vector<64x1024xi32>
    %or3A_173 = arith.ori %shift_right_logical3A_169, %and3A_172 : vector<64x1024xi32>
    %transpose3A = tpu.transpose %or3A, [1, 0] : vector<64x1024xi32> -> vector<1024x64xi32>
    %transpose3A_174 = tpu.transpose %or3A_173, [1, 0] : vector<64x1024xi32> -> vector<1024x64xi32>
    %concatenate3A_175 = tpu.concatenate %transpose3A, %transpose3A_174 in 1 : vector<1024x64xi32>, vector<1024x64xi32> -> vector<1024x128xi32>
    %swap3A = arith.constant 0 : index
    %swap3A_176 = arith.constant 0 : index
    %swap3A_177 = vector.load %arg3[%swap3A, %swap3A_176] : memref<1024x128xi32, #tpu.memory_space<vmem>>, vector<1024x128xi32>
    tpu.vector_store %arg3[%swap3A, %swap3A_176], %concatenate3A_175 {strides = array<i32>} : memref<1024x128xi32, #tpu.memory_space<vmem>>, vector<1024x128xi32>,
    return
  }
  func.func @transform_0(%arg0: i32) -> (i32, i32) {
    %c0_i32 = arith.constant 0 : i32
    %c0_i32_0 = arith.constant 0 : i32
    return %c0_i32, %arg0 : i32, i32
  }
  func.func @transform_1(%arg0: i32) -> (i32, i32) {
    %c0_i32 = arith.constant 0 : i32
    %c0_i32_0 = arith.constant 0 : i32
    %c0_i32_1 = arith.constant 0 : i32
    return %c0_i32, %c0_i32_0 : i32, i32
  }
  func.func @transform_2(%arg0: i32) -> (i32, i32) {
    %c0_i32 = arith.constant 0 : i32
    %c0_i32_0 = arith.constant 0 : i32
    return %arg0, %c0_i32 : i32, i32
  }
}

</mosaic_0001>

<sc_bundles>
// kernel: kernel.5.cloned.1.call-start
scs
__scs_entry_jumppad:
0x0: {  	(pc) =	sbr.rel $0x88, $3  }
0x1: {  	(tag) =	ssettag $0x0;
	lr =	simm.s32 $0x1  }
0x2: {  	[smem:$0x3F9D] =	sst lr;
	_ =	strace $0xD0000000  }
0x3: {  	_ = 	snop  }
0x4: {  	_ = 	snop  }
0x5: {  	_ = 	snop  }
0x6: {  	_ = 	snop  }
0x7: {  	_ = 	snop  }
__scs_overlays_trampoline_lowered:
0x8: {  	[smem:$0x3FAC] =	sst s0  }
0x9: {  	[smem:$0x3FAD] =	sst s1  }
0xa: {  	[smem:$0x3FAE] =	sst s2  }
0xb: {  	[smem:$0x3FAF] =	sst s3  }
0xc: {  	[smem:$0x3FB0] =	sst s4  }
0xd: {  	[smem:$0x3FB1] =	sst s5  }
0xe: {  	[smem:$0x3FB2] =	sst s6  }
0xf: {  	[smem:$0x3FB3] =	sst s7  }
0x10: {  	[smem:$0x3FB4] =	sst s8  }
0x11: {  	[smem:$0x3FB5] =	sst s9;
	s0 =	simm.s32 @!p0 $0x0  }
0x12: {  	s1 =	sld [smem:$0x3F9B];
	s0 =	simm.s32 @p0 $0x1  }
0x13: {  	[smem:$0x3FB6] =	sst s0;
	s0 =	simm.s32 @!p1 $0x0  }
0x14: {  	s2 =	sld [smem:$0x3F9A];
	s0 =	simm.s32 @p1 $0x1  }
0x15: {  	[smem:$0x3FB7] =	sst s0;
	s0 =	simm.s32 @!p2 $0x0  }
0x16: {  	s3 =	sld [smem:$0x3FDB];
	s0 =	simm.s32 @p2 $0x1  }
0x17: {  	s4 =	simm.s32 $0x1BF5;
	[smem:$0x3FB9] =	sst s0  }
0x18: {  	s0 =	sld [smem:$0x3F9C];
	_ =	swait.ge [sflag:s4], $0x0  }
0x19: {  	s7 =	sld [smem:$0x3F9D]  }
0x1a: {  	s8 =	sadd.s32 $0xFFFFE003, lr  }
0x1b: {  	s9 =	sadd.s32 $0xFFFFFEF7, lr;
	s5 =	simm.s32 $0xFFFFFFFF;
	p2 =	slt.u32 s8, $0xFFFFF086  }
0x1c: {  	p1 =	slt.u32 s9, $0xF7A;
	s5 =	simm.s32 @!p2 $0x0  }
0x1d: {  	s5 =	simm.s32 @p1 $0x1;
	p0 =	seq.s32 s7, s2  }
0x1e: {  	s7 =	smul.u32 @!p0 $0xF7A, s2;
	p2 =	seq.s32 @!p0 s5, $0x0  }
0x1f: {  	s9 =	smul.u32 $0xF7A, s1;
	s8 =	simm.s32 @!p0 $0x1BF5;
	p2 =	por !p2, p0  }
0x20: {  	[sflag:s8] =	ssyncset.s32 @!p0 $0xFFFFF086;
	s6 =	sadd.s32 @!p0 s3, s7;
	s7 =	simm.s32 @!p0 $0x108  }
0x21: {  	s3 =	sadd.s32 s3, s9;
	s6 =	sadd.s32 @!p0 $0x88, s6;
	s7 =	simm.s32 @p2 $0x1082  }
0x22: {  	[simem:s7], [sflag:s8] =	dma.local @!p0 [hbm:s6], $0xF7A  }
0x23: {  	s9 =	sor.u32 $0xD0000000, s2;
	s6 =	simm.s32 $0x108;
	_ =	swait.ge @!p0 [sflag:s8], $0x0  }
0x24: {  	s3 =	sadd.s32 $0x88, s3;
	s6 =	simm.s32 @!p1 $0x1082;
	[sflag:s4] =	ssyncset.s32 $0xFFFFF086  }
0x25: {  	[simem:s6], [sflag:s4] =	dma.local [hbm:s3], $0xF7A  }
0x26: {  	[smem:$0x3F9D] =	sst s1;
	(tag) =	ssettag s2;
	_ =	strace s9  }
0x27: {  	s1 =	sld [smem:$0x3FAD]  }
0x28: {  	s2 =	sld [smem:$0x3FAE]  }
0x29: {  	s4 =	sld [smem:$0x3FB0]  }
0x2a: {  	p0 =	seq.s32 s5, $0x0;
	s5 =	sld [smem:$0x3FB1]  }
0x2b: {  	s6 =	sld [smem:$0x3FB2]  }
0x2c: {  	s7 =	sld [smem:$0x3FB3]  }
0x2d: {  	s3 =	simm.s32 $0x108;
	s8 =	sld [smem:$0x3FB4]  }
0x2e: {  	s3 =	simm.s32 @!p0 $0x1082;
	s9 =	sld [smem:$0x3FB5]  }
0x2f: {  	lr =	sadd.s32 s0, s3;
	s0 =	sld [smem:$0x3FAC]  }
0x30: {  	s3 =	sld [smem:$0x3FAF]  }
0x31: {  	[smem:$0x3FB8] =	sst s10  }
0x32: {  	s10 =	sld [smem:$0x3FB6];
	_ =	sdelay $0x3  }
0x33: {  	p0 =	seq.s32 s10, $0x1;
	s10 =	sld [smem:$0x3FB8];
	_ =	sdelay $0x3  }
0x34: {  	[smem:$0x3FB8] =	sst s10  }
0x35: {  	s10 =	sld [smem:$0x3FB7];
	_ =	sdelay $0x3  }
0x36: {  	p1 =	seq.s32 s10, $0x1;
	s10 =	sld [smem:$0x3FB8];
	_ =	sdelay $0x3  }
0x37: {  	[smem:$0x3FB8] =	sst s10  }
0x38: {  	s10 =	sld [smem:$0x3FB9]  }
0x39: {  	_ = 	snop;
	(pc) =	sbr.ind lr, $3  }
0x3a: {  	_ = 	snop  }
0x3b: {  	_ = 	snop  }
0x3c: {  	p2 =	seq.s32 s10, $0x1;
	s10 =	sld [smem:$0x3FB8]  }
0x3d: {  	_ =	shalt  }
0x3e: {  	_ =	shalt  }
0x3f: {  	_ =	shalt  }
0x40: {  	_ =	shalt  }
0x41: {  	_ =	shalt  }
0x42: {  	_ =	shalt  }
0x43: {  	_ =	shalt  }
0x44: {  	_ =	shalt  }
0x45: {  	_ =	shalt  }
0x46: {  	_ =	shalt  }
0x47: {  	_ =	shalt  }
0x48: {  	_ =	shalt  }
0x49: {  	_ =	shalt  }
0x4a: {  	_ =	shalt  }
0x4b: {  	_ =	shalt  }
0x4c: {  	_ =	shalt  }
0x4d: {  	_ =	shalt  }
0x4e: {  	_ =	shalt  }
0x4f: {  	_ =	shalt  }
0x50: {  	_ =	shalt  }
0x51: {  	_ =	shalt  }
0x52: {  	_ =	shalt  }
0x53: {  	_ =	shalt  }
0x54: {  	_ =	shalt  }
0x55: {  	_ =	shalt  }
0x56: {  	_ =	shalt  }
0x57: {  	_ =	shalt  }
0x58: {  	_ =	shalt  }
0x59: {  	_ =	shalt  }
0x5a: {  	_ =	shalt  }
0x5b: {  	_ =	shalt  }
0x5c: {  	_ =	shalt  }
0x5d: {  	_ =	shalt  }
0x5e: {  	_ =	shalt  }
0x5f: {  	_ =	shalt  }
0x60: {  	_ =	shalt  }
0x61: {  	_ =	shalt  }
0x62: {  	_ =	shalt  }
0x63: {  	_ =	shalt  }
0x64: {  	_ =	shalt  }
0x65: {  	_ =	shalt  }
0x66: {  	_ =	shalt  }
0x67: {  	_ =	shalt  }
0x68: {  	_ =	shalt  }
0x69: {  	_ =	shalt  }
0x6a: {  	_ =	shalt  }
0x6b: {  	_ =	shalt  }
0x6c: {  	_ =	shalt  }
0x6d: {  	_ =	shalt  }
0x6e: {  	_ =	shalt  }
0x6f: {  	_ =	shalt  }
0x70: {  	_ =	shalt  }
0x71: {  	_ =	shalt  }
0x72: {  	_ =	shalt  }
0x73: {  	_ =	shalt  }
0x74: {  	_ =	shalt  }
0x75: {  	_ =	shalt  }
0x76: {  	_ =	shalt  }
0x77: {  	_ =	shalt  }
0x78: {  	_ =	shalt  }
0x79: {  	_ =	shalt  }
0x7a: {  	_ =	shalt  }
0x7b: {  	_ =	shalt  }
0x7c: {  	_ =	shalt  }
0x7d: {  	_ =	shalt  }
0x7e: {  	_ =	shalt  }
0x7f: {  	_ =	shalt  }
0x80: {  	_ =	shalt  }
0x81: {  	_ =	shalt  }
0x82: {  	_ =	shalt  }
0x83: {  	_ =	shalt  }
0x84: {  	_ =	shalt  }
0x85: {  	_ =	shalt  }
0x86: {  	_ =	shalt  }
0x87: {  	_ =	shalt  }
.Lfunc_end0:
.L_simem_size_0:
called_computation.1_lowered:
.L_overlay_start_0:
0x88: {  	s2 =	sld [smem:$0x3FD9]  }
0x89: {  	s3 =	sld [smem:$0x3FFE];
	_ =	sdelay $0x1  }
0x8a: {  	s1 =	srdreg.scid  }
0x8b: {  	s0 =	sand.u32 $0x1, s1  }
0x8c: {  	s17 =	sshll.u32 s0, $0xA;
	s2 =	sadd.s32 s3, s2  }
0x8d: {  	s2 =	sadd.s32 s2, s17  }
0x8e: {  	[smem:$0x3FC4] =	sst s2  }
0x8f: {  	_ = 	snop  }
0x90: {  	s2 =	sld [smem:$0x3FC7]  }
0x91: {  	s18 =	sld [smem:$0x3FD0];
	(tm) =	ssettm $0x1  }
0x92: {  	s4 =	sld [smem:$0x3FFB];
	_ =	sdelay $0x3  }
0x93: {  	_ =	strace s4  }
0x94: {  	s4 =	sld [smem:$0x3FFC];
	_ =	sdelay $0x3  }
0x95: {  	_ =	strace s4  }
0x96: {  	s4 =	sld [smem:$0x3FFD];
	_ =	sdelay $0x3  }
0x97: {  	_ =	strace s4  }
0x98: {  	_ =	strace $0x8FFFFFFF  }
0x99: {  	s19 =	sld [smem:$0x3FDB];
	_ =	sdelay $0x1  }
0x9a: {  	s5 =	simm.s32 $_scs_section_size  }
0x9b: {  	s6 =	simm.s32 $_size__tile_overlayer_lowered;
	s7 =	simm.s32 $_tile_overlayer_lowered  }
0x9c: {  	s22 =	simm.s32 $0x1BFF;
	s21 =	sshll.u32 s7, $0x1;
	s4 =	sadd.s32 s5, s19  }
0x9d: {  	s8 =	simm.s32 $0x0;
	s20 =	sshll.u32 s6, $0x1;
	s6 =	sadd.s32 s21, s4  }
0x9e: {  	[timem:s8], [sflag:s22] =	dma.local [hbm:s6], s20  }
0x9f: {  	_ =	swait.ge [sflag:s22], s20  }
0xa0: {  	s5 =	ssub.s32 $0x0, s20;
	[sflag:s22] =	ssyncset.done $0x0  }
0xa1: {  	[sflag:s22] =	ssyncadd.s32 s5;
	_ =	sdelay $0x1  }
0xa2: {  	s23 =	simm.s32 $0x1B8B  }
0xa3: {  	_ =	swait.ge [sflag:s23], $0x1  }
0xa4: {  	[sflag:s23] =	ssyncset.done $0x0  }
0xa5: {  	s25 =	simm.s32 $0x1B8E;
	s24 =	sld [smem:$0x3FFE];
	[sflag:s23] =	ssyncadd.s32 $0xFFFFFFFF  }
0xa6: {  	s26 =	simm.s32 $execute0_lowered;
	[smem:$0x3FD2] =	sst s25  }
0xa7: {  	s6 =	sshll.u32 s26, $0x1;
	_ =	strace $0x80000049;
	[dreg:$0x1] =	wrdreg $0xFFFFFFFF  }
0xa8: {  	s28 =	simm.s32 $_size_execute0_lowered;
	s4 =	sadd.s32 s4, s6;
	[dreg:$0x0] =	wrdreg $0x0  }
0xa9: {  	s6 =	sshll.u32 s28, $0x1;
	[dreg:$0x2] =	wrdreg s4  }
0xaa: {  	[dreg:$0x3] =	wrdreg s6  }
0xab: {  	[dreg:$0x4] =	wrdreg $0xC0  }
0xac: {  	_ =	task [dreg:s8], $0x5FFFF  }
0xad: {  	[dreg:$0x1] =	wrdreg $0xFFFFFFFF  }
0xae: {  	[dreg:$0x0] =	wrdreg $0x60  }
0xaf: {  	[dreg:$0x2] =	wrdreg s24  }
0xb0: {  	[dreg:$0x3] =	wrdreg s2  }
0xb1: {  	[dreg:$0x4] =	wrdreg s18  }
0xb2: {  	[dreg:$0x5] =	wrdreg $0x9  }
0xb3: {  	_ =	task.clear_ibuf [dreg:s8], $0x6FFFF;
	_ =	strace $0x90000049  }
0xb4: {  	s29 =	simm.s32 $0x9;
	_ =	strace $0x8000004B  }
0xb5: {  	_ =	swait.ge [sflag:s29], $0x1  }
0xb6: {  	[sflag:s29] =	ssyncadd.s32 $0xFFFFFFFF  }
0xb7: {  	_ =	strace $0x9000004B  }
0xb8: {  	_ =	sfence  }
0xb9: {  	s30 =	sld [smem:$0x0];
	_ =	sdelay $0x2  }
0xba: {  	s31 =	sshll.u32 s1, $0xD;
	s1 =	sshrl.u32 s1, $0x2  }
0xbb: {  	s3 =	sand.u32 $0x4000, s31;
	s1 =	sadd.s32 s1, s30  }
0xbc: {  	s0 =	sor.u32 s3, s0;
	s1 =	sshll.u32 s1, $0x11  }
0xbd: {  	s0 =	sor.u32 s1, s0  }
0xbe: {  	s0 =	sadd.s32 $0x8F2B, s0  }
0xbf: {  	[sflag:s0] =	ssyncadd.remote.s32 $0x1  }
0xc0: {  	_ =	sfence.sel $0xFFFF  }
0xc1: {  	[dreg:$0x0] =	wrdreg $0xFFFFFFFF;
	(pc) =	sbr.abs _section_cstart, $3  }
0xc2: {  	[dreg:$0x1] =	wrdreg $0xFFFFFFFF  }
0xc3: {  	_ =	task.clear_ibuf [dreg:s8], $0x2FFFF;
	_ =	strace $0x9FFFFFFF  }
0xc4: {  	(tm) =	ssettm $0x7FFFFFFF  }
0xc5: {  	_ =	shalt  }
tec
execute0_lowered:
.L_overlay_start_1:
0x0: {  	(tag) =	ssettag $0x1  }
0x1: {  	s6 =	rddreg [dreg:$0x0]  }
0x2: {  	s1 =	srdreg.scid;
	s2 =	rddreg [dreg:$0x1]  }
0x3: {  	s0 =	stileid.u32;
	s3 =	rddreg [dreg:$0x2]  }
0x4: {  	s4 =	simm.s32 $0x0;
	s11 =	simm.s32 $0x14000;
	s12 =	simm.s32 $0x3  }
0x5: {  	s13 =	simm.s32 $0x4000;
	s14 =	simm.s32 $0x8000;
	s15 =	simm.s32 $0x80  }
0x6: {  	s16 =	simm.s32 $0xC000;
	s17 =	simm.s32 $0x1;
	s18 =	simm.s32 $0x10000  }
0x7: {  	s19 =	simm.s32 $0x14080;
	s20 =	simm.s32 $0x2;
	s7 =	sand.u32 $0x1, s1  }
0x8: {  	s21 =	simm.s32 $0x14100;
	s5 =	sshll.u32 s0, $0x8;
	s8 =	sshll.u32 s7, $0x7  }
0x9: {  	s22 =	simm.s32 $0x0;
	s1 =	rddreg [dreg:$0x3];
	s5 =	sor.u32 s8, s5  }
0xa: {  	[smem:$0x7FF] =	sst s4;
	s7 =	ssub.s32 $0x2, s7;
	s8 =	sshll.u32 s5, $0x4  }
0xb: {  	_ =	strace $0x8000004A;
	s31 =	sshrl.u32 s7, $0x1;
	s9 =	sadd.s32 s8, s6  }
0xc: {  	s10 =	ssub.s32 s7, s31;
	s6 =	sadd.s32 $0x131400, s6;
	s7 =	sadd.s32 $0x101400, s9  }
0xd: {  	s10 =	smax.u32 s10, $0x1;
	s8 =	sadd.s32 $0x111400, s9;
	s9 =	sadd.s32 $0x121400, s9  }
.LBB2_1:
0xe: {  	[tilespmem:s11], [sflag:$0x3] =	stream.linear.gather [hbm4b:s2+s4], $0x80, $0x38;
	[tilespmem:$0x14180] =	vst v63  }
0xf: {  	_ =	swait.ge [sflag:s12], $0x80  }
0x10: {  	[sflag:s12] =	ssyncset.done $0x0  }
0x11: {  	[sflag:s12] =	ssyncadd.s32 $0xFFFFFF80  }
0x12: {  	[tilespmem:s4], [sflag:$0x3] =	stream.linear.gather [hbm4b:s7+s4], $0x4000, $0x38;
	[tilespmem:$0x14180] =	vst v63  }
0x13: {  	_ =	swait.ge [sflag:s12], $0x4000  }
0x14: {  	[sflag:s12] =	ssyncset.done $0x0  }
0x15: {  	[sflag:s12] =	ssyncadd.s32 $0xFFFFC000  }
0x16: {  	[tilespmem:s13], [sflag:$0x3] =	stream.linear.gather [hbm4b:s8+s4], $0x4000, $0x38;
	[tilespmem:$0x14180] =	vst v63  }
0x17: {  	_ =	swait.ge [sflag:s12], $0x4000  }
0x18: {  	[sflag:s12] =	ssyncset.done $0x0  }
0x19: {  	[sflag:s12] =	ssyncadd.s32 $0xFFFFC000  }
0x1a: {  	[tilespmem:s14], [sflag:$0x3] =	stream.linear.gather [hbm4b:s9+s4], $0x4000, $0x38;
	[tilespmem:$0x14180] =	vst v63  }
0x1b: {  	_ =	swait.ge [sflag:s12], $0x4000  }
0x1c: {  	[sflag:s12] =	ssyncset.done $0x0  }
0x1d: {  	s23 =	simm.s32 $0x0;
	[sflag:s12] =	ssyncadd.s32 $0xFFFFC000  }
0x1e: {  	[tilespmem:s16], [sflag:$0x1] =	stream.indirect.gather [hbm4b:s6+s15], $0x80, s4, s15, $0xb8;
	[tilespmem:$0x14180] =	vst v63  }
.LBB2_2:
0x1f: {  	_ =	swait.ge [sflag:s17], $0x4000;
	s24 =	sshllo.u32 s23, $0x1  }
0x20: {  	[sflag:s17] =	ssyncset.done $0x0;
	s25 =	sshll.u32 s24, $0x7  }
0x21: {  	[sflag:s17] =	ssyncadd.s32 $0xFFFFC000;
	s26 =	sand.u32 $0x3FFFFF80, s25  }
0x22: {  	[tilespmem:s18], [sflag:$0x1] =	stream.indirect.gather [hbm4b:s6+s15], $0x80, s26, s15, $0xb8;
	[tilespmem:$0x14180] =	vst v63  }
0x23: {  	s31 =	simm.s32 $0x0;
	s28 =	simm.s32 $0xC040;
	v15 =	vld [tilespmem:$0x14000]  }
0x24: {  	s29 =	sshll.u32 s23, $0x8;
	v0 =	vmov s31;
	v6 =	vld [tilespmem:s28+$0xFFFFFFF0]  }
0x25: {  	v2 =	vmov s29;
	v0 =	vand.u32 $0x7F, v0;
	s26 =	simm.s32 $0xC0C0;
	v9 =	vld [tilespmem:s28+$0x30]  }
0x26: {  	v0 =	vadd.s32 v2, v0;
	v1 =	vld [tilespmem:s26+$0xFFFFFFF0]  }
0x27: {  	v3 =	vbroadcast v0, $0x0;
	v11 =	vld [tilespmem:s28+$0x0]  }
0x28: {  	v10 =	vld [tilespmem:s28+$0x10]  }
0x29: {  	v14 =	vld [tilespmem:s28+$0xFFFFFFE0]  }
0x2a: {  	v17 =	vld [tilespmem:s28+$0x20]  }
0x2b: {  	v19 =	vld [tilespmem:s28+$0xFFFFFFD0]  }
0x2c: {  	v20 =	vld [tilespmem:s28+$0xFFFFFFC0]  }
0x2d: {  	v5 =	vand.u32 $0xFFFF0000, v6;
	v0 =	vand.u32 $0xFFFF0000, v1;
	v4 =	vand.u32 $0xFFFF0000, v10;
	v7 =	vld.idx.msk [tilespmem:v3+s13+$0x0], $0xffff  }
0x2e: {  	v12 =	vand.u32 $0xFFFF0000, v14;
	v13 =	vshll.u32 v11, $0x10;
	v8 =	vshll.u32 v9, $0x10;
	v3 =	vld.idx.msk [tilespmem:v3+s14+$0x0], $0xffff  }
0x2f: {  	v23 =	vld [tilespmem:$0x14010];
	v16 =	vshll.u32 v6, $0x10;
	v22 =	vshll.u32 v10, $0x10;
	v18 =	vshll.u32 v17, $0x10  }
0x30: {  	v10 =	vld [tilespmem:$0x14020];
	v24 =	vshll.u32 v14, $0x10;
	v28 =	vand.u32 $0xFFFF0000, v11;
	v11 =	vand.u32 $0xFFFF0000, v17  }
0x31: {  	v6 =	vld [tilespmem:$0x14030];
	v17 =	vshll.u32 v20, $0x10;
	v20 =	vand.u32 $0xFFFF0000, v20;
	v25 =	vshll.u32 v19, $0x10  }
0x32: {  	v26 =	vand.u32 $0xFFFF0000, v19;
	v17 =	vmul.f32 v17, v7;
	v21 =	vmul.f32 v20, v7;
	v20 =	vld [tilespmem:$0x14050]  }
0x33: {  	v14 =	vld [tilespmem:$0x14040];
	v27 =	vand.u32 $0xFFFF0000, v9;
	v25 =	vmul.f32 v25, v7;
	v11 =	vmul.f32 v11, v3  }
0x34: {  	s29 =	simm.s32 $0x1;
	v9 =	vld [tilespmem:$0x14060];
	v26 =	vmul.f32 v26, v7;
	v19 =	vadd.f32 v17, v15;
	v17 =	vmul.f32 v27, v3  }
0x35: {  	s30 =	simm.s32 $0x2;
	s28 =	sshll.u32 s23, $0x1;
	v15 =	vld [tilespmem:$0x14070];
	v27 =	vmov s29;
	v25 =	vadd.f32 v25, v23;
	v23 =	vmul.f32 v28, v3;
	s29 =	simm.s32 $0xC0C0  }
.LBB2_3:
0x36: {  	p0 =	sne.s32 s30, $0x7F;
	v27 =	vand.u32 $0x7F, v27;
	v28 =	vld [tilespmem:s26+$0xFFFFFFD0];
	v24 =	vmul.f32 v24, v7;
	v22 =	vmul.f32 v22, v3;
	s31 =	smov.u32 s30;
	s30 =	sadd.s32 $0x1, s30  }
0x37: {  	s26 =	sadd.s32 $0x80, s26;
	v20 =	vadd.f32 v26, v20;
	v26 =	vmul.f32 v5, v7;
	v5 =	vmovc v0;
	v27 =	vadd.s32 v2, v27;
	v29 =	vld [tilespmem:s29+$0x30]  }
0x38: {  	v30 =	vld [tilespmem:s26+$0xFFFFFFF0];
	v27 =	vbroadcast v27, $0x0;
	v0 =	vadd.f32 v24, v10;
	v10 =	vmul.f32 v18, v3  }
0x39: {  	v14 =	vadd.f32 v21, v14;
	v16 =	vmul.f32 v16, v7;
	v25 =	vadd.f32 v22, v25;
	v31 =	vld [tilespmem:s29+$0x0]  }
0x3a: {  	v7 =	vmul.f32 v12, v7;
	v12 =	vmul.f32 v13, v3;
	v18 =	vld [tilespmem:s29+$0x10];
	v10 =	vadd.f32 v10, v0  }
0x3b: {  	v8 =	vmul.f32 v8, v3;
	v13 =	vadd.f32 v26, v15;
	v14 =	vadd.f32 v23, v14;
	v21 =	vld [tilespmem:s29+$0xFFFFFFE0]  }
0x3c: {  	v6 =	vadd.f32 v16, v6;
	v19 =	vadd.f32 v12, v19;
	v3 =	vmul.f32 v4, v3;
	v23 =	vld [tilespmem:s29+$0x20]  }
0x3d: {  	v9 =	vadd.f32 v7, v9;
	v15 =	vadd.f32 v17, v13;
	v0 =	vand.u32 $0xFFFF0000, v30;
	v26 =	vld [tilespmem:s29+$0xFFFFFFC0];
	s29 =	smov.u32 s26  }
0x3e: {  	v20 =	vadd.f32 v3, v20;
	v6 =	vadd.f32 v8, v6;
	v7 =	vld.idx.msk [tilespmem:v27+s13+$0x0], $0xffff  }
0x3f: {  	v9 =	vadd.f32 v11, v9;
	v3 =	vld.idx.msk [tilespmem:v27+s14+$0x0], $0xffff;
	v4 =	vand.u32 $0xFFFF0000, v18  }
0x40: {  	v8 =	vshll.u32 v29, $0x10;
	v13 =	vshll.u32 v31, $0x10;
	v12 =	vand.u32 $0xFFFF0000, v21  }
0x41: {  	v16 =	vshll.u32 v1, $0x10;
	v1 =	vmovc v30;
	v22 =	vshll.u32 v18, $0x10;
	v18 =	vshll.u32 v23, $0x10  }
0x42: {  	v30 =	vand.u32 $0xFFFF0000, v31;
	v24 =	vshll.u32 v21, $0x10;
	v11 =	vand.u32 $0xFFFF0000, v23  }
.Ltmp0:
0x43: {  	v23 =	vshll.u32 v28, $0x10;
	v17 =	vshll.u32 v26, $0x10;
	v21 =	vand.u32 $0xFFFF0000, v26;
	(pc) =	sbr.rel @p0 .LBB2_3-.Ltmp0, $4  }
0x44: {  	v26 =	vand.u32 $0xFFFF0000, v28;
	v17 =	vmul.f32 v17, v7;
	v21 =	vmul.f32 v21, v7  }
0x45: {  	v27 =	vand.u32 $0xFFFF0000, v29;
	v23 =	vmul.f32 v23, v7;
	v11 =	vmul.f32 v11, v3  }
0x46: {  	v26 =	vmul.f32 v26, v7;
	v19 =	vadd.f32 v17, v19;
	v17 =	vmul.f32 v27, v3  }
0x47: {  	v27 =	vmov s31;
	v25 =	vadd.f32 v23, v25;
	v23 =	vmul.f32 v30, v3  }
0x48: {  	v27 =	vand.u32 $0x7F, v27;
	v24 =	vmul.f32 v24, v7;
	v22 =	vmul.f32 v22, v3  }
0x49: {  	v5 =	vmul.f32 v5, v7;
	v18 =	vmul.f32 v18, v3;
	v2 =	vadd.s32 v2, v27  }
0x4a: {  	v28 =	vld [tilespmem:s26+$0xFFFFFFD0];
	v16 =	vmul.f32 v16, v7;
	v2 =	vbroadcast v2, $0x0  }
0x4b: {  	v20 =	vadd.f32 v26, v20;
	v7 =	vmul.f32 v12, v7;
	v12 =	vmul.f32 v13, v3;
	v13 =	vld [tilespmem:s29+$0xFFFFFFE0]  }
0x4c: {  	v14 =	vadd.f32 v21, v14;
	v8 =	vmul.f32 v8, v3;
	v3 =	vmul.f32 v4, v3;
	v4 =	vld [tilespmem:s29+$0xFFFFFFC0]  }
0x4d: {  	v10 =	vadd.f32 v24, v10;
	v24 =	vld [tilespmem:s29+$0x0];
	v21 =	vadd.f32 v22, v25  }
0x4e: {  	v22 =	vld [tilespmem:s29+$0x10];
	v5 =	vadd.f32 v5, v15;
	v14 =	vadd.f32 v23, v14  }
0x4f: {  	v15 =	vld [tilespmem:s29+$0x20];
	v6 =	vadd.f32 v16, v6;
	v12 =	vadd.f32 v12, v19  }
0x50: {  	v7 =	vadd.f32 v7, v9;
	v3 =	vadd.f32 v3, v20;
	v9 =	vld.idx.msk [tilespmem:v2+s13+$0x0], $0xffff  }
0x51: {  	v1 =	vshll.u32 v1, $0x10;
	v10 =	vadd.f32 v18, v10;
	v5 =	vadd.f32 v17, v5  }
0x52: {  	v6 =	vadd.f32 v8, v6;
	v7 =	vadd.f32 v11, v7;
	v11 =	vand.u32 $0xFFFF0000, v13;
	v2 =	vld.idx.msk [tilespmem:v2+s14+$0x0], $0xffff  }
0x53: {  	v23 =	vshll.u32 v4, $0x10;
	v4 =	vand.u32 $0xFFFF0000, v4;
	v8 =	vand.u32 $0xFFFF0000, v22  }
0x54: {  	v18 =	vld [tilespmem:s29+$0x30];
	v16 =	vshll.u32 v24, $0x10;
	v19 =	vshll.u32 v22, $0x10;
	v20 =	vshll.u32 v15, $0x10  }
0x55: {  	v22 =	vand.u32 $0xFFFF0000, v24;
	v24 =	vshll.u32 v28, $0x10;
	v23 =	vmul.f32 v23, v9  }
0x56: {  	v15 =	vand.u32 $0xFFFF0000, v15;
	v4 =	vmul.f32 v4, v9;
	v24 =	vmul.f32 v24, v9  }
0x57: {  	v13 =	vshll.u32 v13, $0x10;
	v15 =	vmul.f32 v15, v2;
	v22 =	vmul.f32 v22, v2  }
0x58: {  	v25 =	vand.u32 $0xFFFF0000, v28;
	v13 =	vmul.f32 v13, v9;
	v16 =	vmul.f32 v16, v2  }
0x59: {  	p0 =	seq.s32 s23, $0x0;
	v17 =	vshll.u32 v18, $0x10;
	v19 =	vmul.f32 v19, v2;
	v1 =	vmul.f32 v1, v9  }
0x5a: {  	s26 =	simm.s32 @!p0 $0x2;
	v17 =	vmul.f32 v17, v2;
	v0 =	vmul.f32 v0, v9;
	v12 =	vadd.f32 v23, v12  }
0x5b: {  	_ =	swait.ge @!p0 [sflag:s26], $0x80;
	v8 =	vmul.f32 v8, v2;
	v21 =	vadd.f32 v24, v21;
	v10 =	vadd.f32 v13, v10  }
0x5c: {  	[sflag:s26] =	ssyncset.done @!p0 $0x0;
	v13 =	vmul.f32 v20, v2;
	v1 =	vadd.f32 v1, v6;
	v12 =	vadd.f32 v16, v12  }
0x5d: {  	[sflag:s26] =	ssyncadd.s32 @!p0 $0xFFFFFF80;
	v23 =	vmul.f32 v25, v9;
	v4 =	vadd.f32 v4, v14;
	v16 =	vadd.f32 v19, v21  }
0x5e: {  	v6 =	vmul.f32 v11, v9;
	v9 =	vand.u32 $0xFFFF0000, v18;
	v10 =	vadd.f32 v13, v10;
	[tilespmem:$0x14080] =	vst v12  }
0x5f: {  	v0 =	vadd.f32 v0, v5;
	v2 =	vmul.f32 v9, v2;
	v1 =	vadd.f32 v17, v1;
	[tilespmem:$0x14090] =	vst v16  }
0x60: {  	v3 =	vadd.f32 v23, v3;
	v4 =	vadd.f32 v22, v4;
	[tilespmem:$0x140A0] =	vst v10  }
0x61: {  	v6 =	vadd.f32 v6, v7;
	v0 =	vadd.f32 v2, v0;
	[tilespmem:$0x140B0] =	vst v1  }
0x62: {  	s31 =	sadd.s32 s5, s28;
	s29 =	sshll.u32 s23, $0x5;
	v3 =	vadd.f32 v8, v3;
	[tilespmem:$0x140C0] =	vst v4  }
0x63: {  	s29 =	sand.u32 $0x60, s29;
	s26 =	sshll.u32 s31, $0x4;
	v1 =	vadd.f32 v15, v6;
	[tilespmem:$0x140F0] =	vst v0  }
0x64: {  	s29 =	sadd.s32 s3, s29;
	s26 =	sand.u32 $0xFF80, s26;
	[tilespmem:$0x140D0] =	vst v3  }
0x65: {  	s30 =	simm.s32 $0x0;
	s29 =	sadd.s32 s26, s29;
	[tilespmem:$0x140E0] =	vst v1  }
0x66: {  	[hbm4b:s29+s30] =	stream.linear.scatter [tilespmem:s19], [sflag:$0x2], $0x80, $0x38;
	[tilespmem:$0x14180] =	vst v63  }
0x67: {  	s28 =	smin.u32 s28, $0x7D;
	_ =	swait.ge [sflag:s17], $0x4000  }
0x68: {  	s28 =	sshll.u32 s28, $0x7;
	[sflag:s17] =	ssyncset.done $0x0  }
0x69: {  	s28 =	sadd.s32 $0x100, s28;
	[sflag:s17] =	ssyncadd.s32 $0xFFFFC000  }
0x6a: {  	[tilespmem:s16], [sflag:$0x1] =	stream.indirect.gather [hbm4b:s6+s15], $0x80, s28, s15, $0xb8;
	[tilespmem:$0x14180] =	vst v63  }
0x6b: {  	s28 =	simm.s32 $0x10040;
	v15 =	vld [tilespmem:$0x14000]  }
0x6c: {  	v0 =	vmov s30;
	v6 =	vld [tilespmem:s28+$0xFFFFFFF0]  }
0x6d: {  	v2 =	vmov s25;
	s25 =	simm.s32 $0x100C0;
	v0 =	vand.u32 $0x7F, v0;
	v9 =	vld [tilespmem:s28+$0x30]  }
0x6e: {  	v0 =	vadd.s32 v2, v0;
	v1 =	vld [tilespmem:s25+$0xFFFFFFF0]  }
0x6f: {  	v3 =	vbroadcast v0, $0x0;
	v11 =	vld [tilespmem:s28+$0x0]  }
0x70: {  	v10 =	vld [tilespmem:s28+$0x10]  }
0x71: {  	v14 =	vld [tilespmem:s28+$0xFFFFFFE0]  }
0x72: {  	v17 =	vld [tilespmem:s28+$0x20]  }
0x73: {  	v19 =	vld [tilespmem:s28+$0xFFFFFFD0]  }
0x74: {  	v20 =	vld [tilespmem:s28+$0xFFFFFFC0]  }
0x75: {  	v7 =	vld.idx.msk [tilespmem:v3+s13+$0x0], $0xffff;
	v5 =	vand.u32 $0xFFFF0000, v6;
	v0 =	vand.u32 $0xFFFF0000, v1;
	v4 =	vand.u32 $0xFFFF0000, v10  }
0x76: {  	v3 =	vld.idx.msk [tilespmem:v3+s14+$0x0], $0xffff;
	v12 =	vand.u32 $0xFFFF0000, v14;
	v13 =	vshll.u32 v11, $0x10;
	v8 =	vshll.u32 v9, $0x10  }
0x77: {  	v23 =	vld [tilespmem:$0x14010];
	v16 =	vshll.u32 v6, $0x10;
	v22 =	vshll.u32 v10, $0x10;
	v18 =	vshll.u32 v17, $0x10  }
0x78: {  	v10 =	vld [tilespmem:$0x14020];
	v24 =	vshll.u32 v14, $0x10;
	v28 =	vand.u32 $0xFFFF0000, v11;
	v11 =	vand.u32 $0xFFFF0000, v17  }
0x79: {  	v6 =	vld [tilespmem:$0x14030];
	v17 =	vshll.u32 v20, $0x10;
	v20 =	vand.u32 $0xFFFF0000, v20;
	v25 =	vshll.u32 v19, $0x10  }
0x7a: {  	v26 =	vand.u32 $0xFFFF0000, v19;
	v17 =	vmul.f32 v17, v7;
	v21 =	vmul.f32 v20, v7;
	v20 =	vld [tilespmem:$0x14050]  }
0x7b: {  	v14 =	vld [tilespmem:$0x14040];
	v27 =	vand.u32 $0xFFFF0000, v9;
	v25 =	vmul.f32 v25, v7;
	v11 =	vmul.f32 v11, v3  }
0x7c: {  	s28 =	simm.s32 $0x1;
	v9 =	vld [tilespmem:$0x14060];
	v26 =	vmul.f32 v26, v7;
	v19 =	vadd.f32 v17, v15;
	v17 =	vmul.f32 v27, v3  }
0x7d: {  	s29 =	simm.s32 $0x2;
	v15 =	vld [tilespmem:$0x14070];
	v27 =	vmov s28;
	v25 =	vadd.f32 v25, v23;
	v23 =	vmul.f32 v28, v3;
	s28 =	simm.s32 $0x100C0  }
.LBB2_5:
0x7e: {  	p0 =	sne.s32 s29, $0x7F;
	v27 =	vand.u32 $0x7F, v27;
	v28 =	vld [tilespmem:s25+$0xFFFFFFD0];
	v24 =	vmul.f32 v24, v7;
	v22 =	vmul.f32 v22, v3;
	s30 =	smov.u32 s29;
	s29 =	sadd.s32 $0x1, s29  }
0x7f: {  	s25 =	sadd.s32 $0x80, s25;
	v20 =	vadd.f32 v26, v20;
	v26 =	vmul.f32 v5, v7;
	v5 =	vmovc v0;
	v27 =	vadd.s32 v2, v27;
	v29 =	vld [tilespmem:s28+$0x30]  }
0x80: {  	v30 =	vld [tilespmem:s25+$0xFFFFFFF0];
	v27 =	vbroadcast v27, $0x0;
	v0 =	vadd.f32 v24, v10;
	v10 =	vmul.f32 v18, v3  }
0x81: {  	v14 =	vadd.f32 v21, v14;
	v16 =	vmul.f32 v16, v7;
	v25 =	vadd.f32 v22, v25;
	v31 =	vld [tilespmem:s28+$0x0]  }
0x82: {  	v7 =	vmul.f32 v12, v7;
	v12 =	vmul.f32 v13, v3;
	v18 =	vld [tilespmem:s28+$0x10];
	v10 =	vadd.f32 v10, v0  }
0x83: {  	v8 =	vmul.f32 v8, v3;
	v13 =	vadd.f32 v26, v15;
	v14 =	vadd.f32 v23, v14;
	v21 =	vld [tilespmem:s28+$0xFFFFFFE0]  }
0x84: {  	v6 =	vadd.f32 v16, v6;
	v19 =	vadd.f32 v12, v19;
	v3 =	vmul.f32 v4, v3;
	v23 =	vld [tilespmem:s28+$0x20]  }
0x85: {  	v9 =	vadd.f32 v7, v9;
	v15 =	vadd.f32 v17, v13;
	v0 =	vand.u32 $0xFFFF0000, v30;
	v26 =	vld [tilespmem:s28+$0xFFFFFFC0];
	s28 =	smov.u32 s25  }
0x86: {  	v20 =	vadd.f32 v3, v20;
	v6 =	vadd.f32 v8, v6;
	v7 =	vld.idx.msk [tilespmem:v27+s13+$0x0], $0xffff  }
0x87: {  	v9 =	vadd.f32 v11, v9;
	v3 =	vld.idx.msk [tilespmem:v27+s14+$0x0], $0xffff;
	v4 =	vand.u32 $0xFFFF0000, v18  }
0x88: {  	v8 =	vshll.u32 v29, $0x10;
	v13 =	vshll.u32 v31, $0x10;
	v12 =	vand.u32 $0xFFFF0000, v21  }
0x89: {  	v16 =	vshll.u32 v1, $0x10;
	v1 =	vmovc v30;
	v22 =	vshll.u32 v18, $0x10;
	v18 =	vshll.u32 v23, $0x10  }
0x8a: {  	v30 =	vand.u32 $0xFFFF0000, v31;
	v24 =	vshll.u32 v21, $0x10;
	v11 =	vand.u32 $0xFFFF0000, v23  }
.Ltmp1:
0x8b: {  	v23 =	vshll.u32 v28, $0x10;
	v17 =	vshll.u32 v26, $0x10;
	v21 =	vand.u32 $0xFFFF0000, v26;
	(pc) =	sbr.rel @p0 .LBB2_5-.Ltmp1, $4  }
0x8c: {  	v26 =	vand.u32 $0xFFFF0000, v28;
	v17 =	vmul.f32 v17, v7;
	v21 =	vmul.f32 v21, v7  }
0x8d: {  	v27 =	vand.u32 $0xFFFF0000, v29;
	v23 =	vmul.f32 v23, v7;
	v11 =	vmul.f32 v11, v3  }
0x8e: {  	v26 =	vmul.f32 v26, v7;
	v19 =	vadd.f32 v17, v19;
	v17 =	vmul.f32 v27, v3  }
0x8f: {  	v27 =	vmov s30;
	v25 =	vadd.f32 v23, v25;
	v23 =	vmul.f32 v30, v3  }
0x90: {  	v27 =	vand.u32 $0x7F, v27;
	v24 =	vmul.f32 v24, v7;
	v22 =	vmul.f32 v22, v3  }
0x91: {  	v28 =	vld [tilespmem:s25+$0xFFFFFFD0];
	v20 =	vadd.f32 v26, v20;
	v5 =	vmul.f32 v5, v7;
	v2 =	vadd.s32 v2, v27  }
0x92: {  	v18 =	vmul.f32 v18, v3;
	v37 =	vld [tilespmem:s28+$0x0];
	v14 =	vadd.f32 v21, v14;
	v2 =	vbroadcast v2, $0x0  }
0x93: {  	v16 =	vmul.f32 v16, v7;
	v39 =	vld [tilespmem:s28+$0x10];
	v40 =	vmul.f32 v12, v7;
	v10 =	vadd.f32 v24, v10  }
0x94: {  	v41 =	vmul.f32 v13, v3;
	v42 =	vld [tilespmem:s28+$0xFFFFFFE0];
	v38 =	vadd.f32 v22, v25;
	v5 =	vadd.f32 v5, v15  }
0x95: {  	v43 =	vld [tilespmem:s28+$0x30];
	v45 =	vmul.f32 v4, v3;
	v14 =	vadd.f32 v23, v14;
	v6 =	vadd.f32 v16, v6  }
0x96: {  	v8 =	vmul.f32 v8, v3;
	v44 =	vld [tilespmem:s28+$0x20];
	v12 =	vadd.f32 v41, v19;
	v7 =	vadd.f32 v40, v9  }
0x97: {  	v46 =	vld [tilespmem:s28+$0xFFFFFFC0];
	v3 =	vadd.f32 v45, v20;
	v10 =	vadd.f32 v18, v10  }
0x98: {  	v1 =	vshll.u32 v1, $0x10;
	v5 =	vadd.f32 v17, v5;
	v6 =	vadd.f32 v8, v6;
	v47 =	vld.idx.msk [tilespmem:v2+s13+$0x0], $0xffff  }
0x99: {  	v7 =	vadd.f32 v11, v7;
	v48 =	vand.u32 $0xFFFF0000, v39;
	v49 =	vand.u32 $0xFFFF0000, v42  }
0x9a: {  	v50 =	vshll.u32 v37, $0x10;
	v51 =	vshll.u32 v43, $0x10;
	v52 =	vshll.u32 v39, $0x10;
	v2 =	vld.idx.msk [tilespmem:v2+s14+$0x0], $0xffff  }
0x9b: {  	v53 =	vshll.u32 v44, $0x10;
	v13 =	vshll.u32 v42, $0x10;
	v54 =	vand.u32 $0xFFFF0000, v37  }
0x9c: {  	v55 =	vshll.u32 v46, $0x10;
	v4 =	vand.u32 $0xFFFF0000, v46;
	v56 =	vshll.u32 v28, $0x10  }
0x9d: {  	v57 =	vand.u32 $0xFFFF0000, v28;
	v23 =	vmul.f32 v55, v47;
	v4 =	vmul.f32 v4, v47  }
0x9e: {  	v15 =	vand.u32 $0xFFFF0000, v44;
	v24 =	vmul.f32 v56, v47;
	v58 =	vmul.f32 v57, v47  }
0x9f: {  	v62 =	vand.u32 $0xFFFF0000, v43;
	v22 =	vmul.f32 v54, v2;
	v13 =	vmul.f32 v13, v47  }
0xa0: {  	v16 =	vmul.f32 v50, v2;
	v19 =	vmul.f32 v52, v2;
	v12 =	vadd.f32 v23, v12  }
0xa1: {  	_ =	swait.ge [sflag:s20], $0x80;
	v1 =	vmul.f32 v1, v47;
	v59 =	vmul.f32 v53, v2;
	v21 =	vadd.f32 v24, v38  }
0xa2: {  	[sflag:s20] =	ssyncset.done $0x0;
	v17 =	vmul.f32 v51, v2;
	v10 =	vadd.f32 v13, v10;
	v12 =	vadd.f32 v16, v12  }
0xa3: {  	[sflag:s20] =	ssyncadd.s32 $0xFFFFFF80;
	v61 =	vmul.f32 v49, v47;
	v1 =	vadd.f32 v1, v6;
	v60 =	vadd.f32 v19, v21  }
0xa4: {  	v0 =	vmul.f32 v0, v47;
	v4 =	vadd.f32 v4, v14;
	v10 =	vadd.f32 v59, v10;
	[tilespmem:$0x14100] =	vst v12  }
0xa5: {  	v8 =	vmul.f32 v48, v2;
	v3 =	vadd.f32 v58, v3;
	v1 =	vadd.f32 v17, v1;
	[tilespmem:$0x14110] =	vst v60  }
0xa6: {  	s23 =	sadd.s32 $0x1, s23;
	v15 =	vmul.f32 v15, v2;
	v6 =	vadd.f32 v61, v7;
	v4 =	vadd.f32 v22, v4;
	[tilespmem:$0x14120] =	vst v10  }
0xa7: {  	p0 =	sne.s32 s23, $0x40;
	v2 =	vmul.f32 v62, v2;
	v0 =	vadd.f32 v0, v5;
	v3 =	vadd.f32 v8, v3;
	[tilespmem:$0x14130] =	vst v1  }
.Ltmp2:
0xa8: {  	s24 =	sshll.u32 s24, $0x4;
	v63 =	vadd.f32 v15, v6;
	[tilespmem:$0x14140] =	vst v4;
	(pc) =	sbr.rel @p0 .LBB2_2-.Ltmp2, $4  }
0xa9: {  	s24 =	sand.u32 $0x70, s24;
	v0 =	vadd.f32 v2, v0;
	[tilespmem:$0x14150] =	vst v3  }
0xaa: {  	s24 =	sadd.s32 s3, s24;
	[tilespmem:$0x14160] =	vst v63  }
0xab: {  	s24 =	sadd.s32 s26, s24;
	[tilespmem:$0x14170] =	vst v0  }
0xac: {  	[hbm4b:s24+s4] =	stream.linear.scatter [tilespmem:s21], [sflag:$0x2], $0x80, $0x38;
	[tilespmem:$0x14180] =	vst v63  }
0xad: {  	s22 =	sadd.s32 $0x1, s22  }
0xae: {  	_ =	swait.ge [sflag:s20], $0x80;
	p0 =	sne.s32 s22, s10  }
.Ltmp3:
0xaf: {  	[sflag:s20] =	ssyncset.done $0x0;
	(pc) =	sbr.rel @p0 .LBB2_1-.Ltmp3, $4  }
0xb0: {  	[sflag:s20] =	ssyncadd.s32 $0xFFFFFF80  }
0xb1: {  	_ =	swait.ge [sflag:s17], $0x4000  }
0xb2: {  	[sflag:s17] =	ssyncset.done $0x0  }
0xb3: {  	[sflag:s17] =	ssyncadd.s32 $0xFFFFC000  }
0xb4: {  	_ =	sfence.sel $0x180000  }
0xb5: {  	[bflag:$0x0] =	sbarrier.arrive $0xFFFF  }
0xb6: {  	p0 =	sne.s32 s0, $0x0;
	_ =	strace $0x9000004A  }
0xb7: {  	s0 =	sadd.s32 @!p0 $0x100000, s1;
	[bflag:$0x2] =	sbarrier.arrive $0xFFFF  }
0xb8: {  	[sflag:s0] =	ssyncadd.tile.s32 @!p0 $0x1;
	_ =	shalt  }
.Lfunc_end2:
_tile_overlayer_lowered:
.L_overlay_start_2:
0xb9: {  	(tag) =	ssettag $0x2  }
0xba: {  	s0 =	rddreg [dreg:$0x0];
	s2 =	stileid.u32  }
0xbb: {  	s1 =	rddreg [dreg:$0x1];
	p0 =	sne.s32 s2, $0x0  }
0xbc: {  	s3 =	rddreg [dreg:$0x2];
	[bflag:$0x3] =	sbarrier.arrive $0xFFFF;
	s2 =	simm.s32 @!p0 $0x1C03  }
0xbd: {  	[timem:s3], [sflag:s2] =	dma.local @!p0 [hbm:s0], s1  }
0xbe: {  	s0 =	simm.s32 @!p0 $0x3  }
0xbf: {  	_ =	swait.ge @!p0 [sflag:s0], s1  }
0xc0: {  	s1 =	ssub.s32 @!p0 $0x0, s1;
	[sflag:s0] =	ssyncset.done @!p0 $0x0  }
0xc1: {  	[sflag:s0] =	ssyncadd.s32 @!p0 s1  }
0xc2: {  	[bflag:$0x3] =	sbarrier.arrive $0xFFFF  }
0xc3: {  	_ =	shalt  }

// kernel: sparse-core-data-format-call.cloned.1.call-start
scs
called_computation_lowered:
.L_overlay_start_0:
0x0: {  	s2 =	sld [smem:$0x3FD9]  }
0x1: {  	s3 =	sld [smem:$0x3FFE];
	_ =	sdelay $0x1  }
0x2: {  	s1 =	srdreg.scid  }
0x3: {  	s0 =	sand.u32 $0x1, s1  }
0x4: {  	s18 =	sshll.u32 s0, $0xA;
	s2 =	sadd.s32 s3, s2  }
0x5: {  	s2 =	sadd.s32 s2, s18  }
0x6: {  	[smem:$0x3FC4] =	sst s2  }
0x7: {  	_ = 	snop  }
0x8: {  	s2 =	sld [smem:$0x3FC8];
	(tm) =	ssettm $0x1  }
0x9: {  	s19 =	sld [smem:$0x3FFB];
	_ =	sdelay $0x3  }
0xa: {  	_ =	strace s19  }
0xb: {  	s3 =	sld [smem:$0x3FFC];
	_ =	sdelay $0x3  }
0xc: {  	_ =	strace s3  }
0xd: {  	s3 =	sld [smem:$0x3FFD];
	_ =	sdelay $0x3  }
0xe: {  	_ =	strace s3  }
0xf: {  	_ =	strace $0x8FFFFFFF  }
0x10: {  	s20 =	sld [smem:$0x3FDB];
	_ =	sdelay $0x1  }
0x11: {  	s4 =	simm.s32 $_scs_section_size  }
0x12: {  	s5 =	simm.s32 $_size__tile_overlayer_lowered;
	s6 =	simm.s32 $_tile_overlayer_lowered  }
0x13: {  	s23 =	simm.s32 $0x1BFF;
	s22 =	sshll.u32 s6, $0x1;
	s3 =	sadd.s32 s4, s20  }
0x14: {  	s7 =	simm.s32 $0x0;
	s21 =	sshll.u32 s5, $0x1;
	s5 =	sadd.s32 s22, s3  }
0x15: {  	[timem:s7], [sflag:s23] =	dma.local [hbm:s5], s21  }
0x16: {  	_ =	swait.ge [sflag:s23], s21  }
0x17: {  	s4 =	ssub.s32 $0x0, s21;
	[sflag:s23] =	ssyncset.done $0x0  }
0x18: {  	[sflag:s23] =	ssyncadd.s32 s4;
	_ =	sdelay $0x1  }
0x19: {  	s24 =	simm.s32 $0x1B8B  }
0x1a: {  	_ =	swait.ge [sflag:s24], $0x1  }
0x1b: {  	[sflag:s24] =	ssyncset.done $0x0  }
0x1c: {  	s26 =	simm.s32 $0x1B8E;
	s25 =	sld [smem:$0x3FFE];
	[sflag:s24] =	ssyncadd.s32 $0xFFFFFFFF  }
0x1d: {  	s27 =	simm.s32 $execute0_lowered;
	[smem:$0x3FD2] =	sst s26  }
0x1e: {  	s5 =	sshll.u32 s27, $0x1;
	_ =	strace $0x80000046;
	[dreg:$0x1] =	wrdreg $0xFFFFFFFF  }
0x1f: {  	s28 =	simm.s32 $_size_execute0_lowered;
	s3 =	sadd.s32 s3, s5;
	[dreg:$0x0] =	wrdreg $0x0  }
0x20: {  	s5 =	sshll.u32 s28, $0x1;
	[dreg:$0x2] =	wrdreg s3  }
0x21: {  	[dreg:$0x3] =	wrdreg s5  }
0x22: {  	[dreg:$0x4] =	wrdreg $0xC0  }
0x23: {  	_ =	task [dreg:s7], $0x5FFFF  }
0x24: {  	[dreg:$0x1] =	wrdreg $0xFFFFFFFF  }
0x25: {  	[dreg:$0x0] =	wrdreg $0x60  }
0x26: {  	[dreg:$0x2] =	wrdreg s2  }
0x27: {  	[dreg:$0x3] =	wrdreg s25  }
0x28: {  	[dreg:$0x4] =	wrdreg $0x9  }
0x29: {  	_ =	task.clear_ibuf [dreg:s7], $0x5FFFF;
	_ =	strace $0x90000046  }
0x2a: {  	s29 =	simm.s32 $0x9;
	_ =	strace $0x80000048  }
0x2b: {  	_ =	swait.ge [sflag:s29], $0x1  }
0x2c: {  	[sflag:s29] =	ssyncadd.s32 $0xFFFFFFFF  }
0x2d: {  	_ =	strace $0x90000048  }
0x2e: {  	_ =	sfence  }
0x2f: {  	s30 =	sld [smem:$0x0];
	_ =	sdelay $0x2  }
0x30: {  	s31 =	sshll.u32 s1, $0xD;
	s1 =	sshrl.u32 s1, $0x2  }
0x31: {  	s3 =	sand.u32 $0x4000, s31;
	s1 =	sadd.s32 s1, s30  }
0x32: {  	s0 =	sor.u32 s3, s0;
	s1 =	sshll.u32 s1, $0x11  }
0x33: {  	s0 =	sor.u32 s1, s0  }
0x34: {  	s0 =	sadd.s32 $0x8F2B, s0  }
0x35: {  	[sflag:s0] =	ssyncadd.remote.s32 $0x1  }
0x36: {  	_ =	sfence.sel $0xFFFF  }
0x37: {  	[dreg:$0x0] =	wrdreg $0xFFFFFFFF;
	(pc) =	sbr.abs _section_cstart, $3  }
0x38: {  	[dreg:$0x1] =	wrdreg $0xFFFFFFFF  }
0x39: {  	_ =	task.clear_ibuf [dreg:s7], $0x2FFFF;
	_ =	strace $0x9FFFFFFF  }
0x3a: {  	(tm) =	ssettm $0x7FFFFFFF  }
0x3b: {  	_ =	shalt  }
tec
execute0_lowered:
.L_overlay_start_1:
0x0: {  	(tag) =	ssettag $0x1  }
0x1: {  	s1 =	rddreg [dreg:$0x0]  }
0x2: {  	s0 =	srdreg.scid;
	s2 =	rddreg [dreg:$0x1]  }
0x3: {  	s31 =	simm.s32 $0x2;
	s15 =	simm.s32 $0x0;
	s8 =	simm.s32 $0x2000  }
0x4: {  	s9 =	simm.s32 $0x0;
	s16 =	simm.s32 $0x0;
	s18 =	simm.s32 $0x0  }
0x5: {  	s17 =	simm.s32 $0x0;
	s10 =	simm.s32 $0x0;
	s0 =	sshll.u32 s0, $0x1  }
0x6: {  	s11 =	simm.s32 $0x0;
	s13 =	stileid.u32;
	s3 =	sand.u32 $0x2, s0  }
0x7: {  	s14 =	simm.s32 $0x0;
	s25 =	simm.s32 $0x0;
	s5 =	ssub.s32 $0x8, s3  }
.Ltmp0:
0x8: {  	s4 =	sadd.s32 $0x1400, s2;
	s6 =	sshrl.u32 s5, $0x1;
	(pc) =	sbr.rel .LBB1_1-.Ltmp0, $4  }
0x9: {  	s0 =	rddreg [dreg:$0x2];
	s7 =	sshrl.u32 s5, $0x2;
	s6 =	sand.u32 $0x1, s6  }
0xa: {  	_ =	strace $0x80000047;
	s5 =	simm.s32 $0x1;
	s6 =	sadd.s32 s7, s6  }
0xb: {  	s2 =	stileid.u32;
	[sflag:s5] =	ssyncpa.u1 $0x0;
	s6 =	sshll.u32 s6, $0x3  }
0xc: {  	s12 =	smov.u32 s3;
	[sflag:s31] =	ssyncpa.u1 $0x0;
	s7 =	sor.u32 $0x1, s6  }
.LBB1_7:
0xd: {  	s19 =	sadd.s32 $0x80, s10  }
0xe: {  	s15 =	sadd.s32 $0x40, s11;
	s20 =	smov.u32 s11;
	p1 =	sgt.s32 s19, $0x3FF  }
0xf: {  	s20 =	smov.u32 @p1 s15  }
0x10: {  	s21 =	smov.u32 s12;
	s15 =	sadd.s32 $0x4, s12;
	p2 =	sgt.s32 s20, $0x3F  }
0x11: {  	s21 =	smov.u32 @p2 s15  }
0x12: {  	s22 =	smov.u32 s13;
	s15 =	sadd.s32 $0x10, s13;
	p3 =	sgt.s32 s21, $0x7  }
0x13: {  	p0 =	slt.u32 s14, $0x2;
	s22 =	smov.u32 @p3 s15  }
0x14: {  	s16 =	smov.u32 s11;
	s19 =	simm.s32 @p1 $0x0;
	p1 =	sgt.s32 s22, $0xF  }
0x15: {  	s23 =	simm.s32 @!p0 $0x2;
	s22 =	smov.u32 @p1 s2;
	p1 =	sne.s32 s14, s7  }
.Ltmp1:
0x16: {  	s18 =	smov.u32 s12;
	_ =	swait.ge @!p0 [sflag:s23], $0x4000;
	(pc) =	sbr.rel @!p1 .LBB1_8-.Ltmp1, $4  }
0x17: {  	s17 =	smov.u32 s13;
	[sflag:s23] =	ssyncset.done @!p0 $0x0;
	s20 =	simm.s32 @p2 $0x0  }
0x18: {  	s9 =	sadd.s32 $0x4000, s9;
	[sflag:s23] =	ssyncadd.s32 @!p0 $0xFFFFC000;
	s11 =	smov.u32 s20  }
0x19: {  	s21 =	smov.u32 @p3 s3;
	s15 =	smov.u32 s10;
	s10 =	smov.u32 s19  }
0x1a: {  	s12 =	smov.u32 s21;
	s14 =	sadd.s32 $0x1, s14;
	s13 =	smov.u32 s22  }
.LBB1_1:
0x1b: {  	p0 =	sge.u32 s14, s6;
	s31 =	sadd.s32 $0xFFFFFFFF, s14  }
0x1c: {  	s19 =	sxor.u32 @!p0 $0xFFFFFFFF, s14;
	s20 =	sshll.u32 @!p0 s11, $0x7;
	s21 =	sand.u32 @!p0 $0x78, s10  }
0x1d: {  	s23 =	sshll.u32 @!p0 s12, $0xD;
	s19 =	sshll.u32 @!p0 s19, $0xE;
	s22 =	sand.u32 @!p0 $0x380, s20  }
0x1e: {  	s20 =	sand.u32 @!p0 $0x1C00, s20;
	s21 =	sor.u32 @!p0 s21, s22;
	s22 =	sshll.u32 @!p0 s13, $0x10  }
0x1f: {  	s19 =	sand.u32 @!p0 $0x4000, s19;
	s20 =	sadd.s32 @!p0 s10, s20;
	s22 =	sadd.s32 @!p0 s1, s22  }
0x20: {  	s21 =	sshrl.u32 @!p0 s21, $0x3;
	s22 =	sadd.s32 @!p0 s23, s22;
	s23 =	sand.u32 @!p0 $0x7, s10  }
0x21: {  	s20 =	sand.u32 @!p0 $0x1F80, s20;
	s21 =	sadd.s32 @!p0 s21, s22;
	s22 =	sshll.u32 @!p0 s23, $0x12  }
0x22: {  	s20 =	sadd.s32 @!p0 s20, s21;
	s21 =	sor.u32 @!p0 $0x400, s22;
	s22 =	simm.s32 @!p0 $0x2000  }
0x23: {  	[tilespmem:s19], [sflag:$0x1] =	stream.strided.gather @!p0 [hbm4b:s20+s21], $0x4000, s22, s21, $0x38;
	[tilespmem:$0x10000] =	vst v63  }
0x24: {  	p0 =	sge.u32 s31, s6  }
.Ltmp2:
0x25: {  	_ = 	snop;
	(pc) =	sbr.rel @p0 .LBB1_7-.Ltmp2, $1  }
0x26: {  	_ =	sdelay $0x3  }
0x27: {  	s19 =	sshll.u32 s9, $0x2  }
0x28: {  	_ =	swait.ge [sflag:s5], $0x4000;
	s20 =	sshll.u32 s14, $0xE;
	s22 =	simm.s32 $0x0  }
0x29: {  	p1 =	por $0x1, $0x1;
	s19 =	sand.u32 $0x10000, s19;
	[sflag:s5] =	ssyncset.done $0x0  }
0x2a: {  	s20 =	sand.u32 $0x4000, s20;
	s21 =	sshrl.u32 s19, $0x2;
	[sflag:s5] =	ssyncadd.s32 $0xFFFFC000  }
0x2b: {  	s19 =	sor.u32 $0x8000, s20;
	s20 =	sadd.s32 $0x8040, s21;
	s21 =	sadd.s32 $0x40, s21  }
.LBB1_3:
0x2c: {  	s23 =	sshll.u32 s22, $0xD  }
0x2d: {  	s23 =	sand.u32 $0x3FFFE000, s23  }
0x2e: {  	s23 =	sadd.s32 s23, s21  }
0x2f: {  	v0 =	vmov s23;
	_ =	sdelay $0x4  }
0x30: {  	v6 =	vld.idx.msk [tilespmem:v0+s25+$0x30 ss:$0x1], $0xffff  }
0x31: {  	v7 =	vld.idx.msk [tilespmem:v0+s25+$0xFFFFFFC0 ss:$0x1], $0xffff  }
0x32: {  	v1 =	vld.idx.msk [tilespmem:v0+s25+$0xFFFFFFD0 ss:$0x1], $0xffff  }
0x33: {  	s31 =	sshll.u32 s22, $0x7;
	v2 =	vld.idx.msk [tilespmem:v0+s25+$0xFFFFFFE0 ss:$0x1], $0xffff  }
0x34: {  	s22 =	sand.u32 $0x3FFFFF80, s31;
	v3 =	vld.idx.msk [tilespmem:v0+s25+$0xFFFFFFF0 ss:$0x1], $0xffff  }
0x35: {  	s22 =	sadd.s32 s22, s20;
	v4 =	vld.idx.msk [tilespmem:v0+s25+$0x0 ss:$0x1], $0xffff  }
0x36: {  	v5 =	vld.idx.msk [tilespmem:v0+s25+$0x10 ss:$0x1], $0xffff;
	[tilespmem:s22+$0x30] =	vst v6  }
0x37: {  	p0 =	por p1, p1;
	s24 =	simm.s32 $0x400;
	s23 =	simm.s32 $0x80;
	[tilespmem:s22+$0xFFFFFFC0] =	vst v7;
	v6 =	vld.idx.msk [tilespmem:v0+s25+$0x20 ss:$0x1], $0xffff  }
.LBB1_4:
0x38: {  	p1 =	sne.s32 s24, $0x7E00;
	v7 =	vld.idx.msk [tilespmem:v0+s23+$0x30 ss:$0x1], $0xffff;
	[tilespmem:s22+$0xFFFFFFD0] =	vst v1  }
0x39: {  	v8 =	vld.idx.msk [tilespmem:v0+s23+$0xFFFFFFC0 ss:$0x1], $0xffff;
	[tilespmem:s22+$0xFFFFFFE0] =	vst v2  }
0x3a: {  	v1 =	vld.idx.msk [tilespmem:v0+s23+$0xFFFFFFD0 ss:$0x1], $0xffff;
	[tilespmem:s22+$0xFFFFFFF0] =	vst v3  }
.Ltmp3:
0x3b: {  	v2 =	vld.idx.msk [tilespmem:v0+s23+$0xFFFFFFE0 ss:$0x1], $0xffff;
	[tilespmem:s22+$0x0] =	vst v4;
	(pc) =	sbr.rel @p1 .LBB1_4-.Ltmp3, $4  }
0x3c: {  	v3 =	vld.idx.msk [tilespmem:v0+s23+$0xFFFFFFF0 ss:$0x1], $0xffff;
	[tilespmem:s22+$0x10] =	vst v5  }
0x3d: {  	v4 =	vld.idx.msk [tilespmem:v0+s23+$0x0 ss:$0x1], $0xffff;
	[tilespmem:s22+$0x20] =	vst v6;
	s22 =	sadd.s32 $0x100, s22  }
0x3e: {  	v5 =	vld.idx.msk [tilespmem:v0+s23+$0x10 ss:$0x1], $0xffff;
	[tilespmem:s22+$0x30] =	vst v7  }
0x3f: {  	[tilespmem:s22+$0xFFFFFFC0] =	vst v8;
	v6 =	vld.idx.msk [tilespmem:v0+s23+$0x20 ss:$0x1], $0xffff;
	s23 =	sshra.s32 s24, $0x2;
	s24 =	sadd.s32 $0x200, s24  }
0x40: {  	_ =	sdelay $0x2  }
0x41: {  	[tilespmem:s22+$0xFFFFFFD0] =	vst v1  }
0x42: {  	v56 =	vld.idx.msk [tilespmem:v0+s23+$0x30 ss:$0x1], $0xffff;
	[tilespmem:s22+$0xFFFFFFE0] =	vst v2  }
0x43: {  	v57 =	vld.idx.msk [tilespmem:v0+s23+$0xFFFFFFC0 ss:$0x1], $0xffff;
	[tilespmem:s22+$0xFFFFFFF0] =	vst v3  }
0x44: {  	v58 =	vld.idx.msk [tilespmem:v0+s23+$0xFFFFFFD0 ss:$0x1], $0xffff;
	[tilespmem:s22+$0x0] =	vst v4  }
0x45: {  	v59 =	vld.idx.msk [tilespmem:v0+s23+$0xFFFFFFE0 ss:$0x1], $0xffff;
	[tilespmem:s22+$0x10] =	vst v5  }
0x46: {  	v60 =	vld.idx.msk [tilespmem:v0+s23+$0xFFFFFFF0 ss:$0x1], $0xffff;
	s31 =	sadd.s32 $0x100, s22;
	[tilespmem:s22+$0x20] =	vst v6  }
0x47: {  	v61 =	vld.idx.msk [tilespmem:v0+s23+$0x0 ss:$0x1], $0xffff;
	[tilespmem:s31+$0x30] =	vst v56  }
0x48: {  	v62 =	vld.idx.msk [tilespmem:v0+s23+$0x10 ss:$0x1], $0xffff;
	[tilespmem:s31+$0xFFFFFFC0] =	vst v57  }
0x49: {  	v63 =	vld.idx.msk [tilespmem:v0+s23+$0x20 ss:$0x1], $0xffff;
	[tilespmem:s31+$0xFFFFFFD0] =	vst v58  }
.Ltmp4:
0x4a: {  	[tilespmem:s31+$0xFFFFFFE0] =	vst v59;
	(pc) =	sbr.rel @p0 .LBB1_3-.Ltmp4, $4  }
0x4b: {  	[tilespmem:s31+$0xFFFFFFF0] =	vst v60  }
0x4c: {  	[tilespmem:s31+$0x0] =	vst v61  }
0x4d: {  	[tilespmem:s31+$0x10] =	vst v62  }
0x4e: {  	p1 =	por $0x0, $0x0;
	s22 =	simm.s32 $0x1;
	[tilespmem:s31+$0x20] =	vst v63  }
0x4f: {  	s18 =	sshll.u32 s18, $0x7;
	s20 =	sand.u32 $0x78, s15  }
0x50: {  	s17 =	sshll.u32 s17, $0x10;
	s16 =	sshll.u32 s16, $0xA;
	s29 =	sand.u32 $0x380, s15  }
.Ltmp5:
0x51: {  	s18 =	sand.u32 $0x380, s18;
	s17 =	sadd.s32 s4, s17;
	(pc) =	sbr.rel .LBB1_7-.Ltmp5, $4  }
0x52: {  	s30 =	sand.u32 $0x7, s15;
	s18 =	sor.u32 s18, s20;
	s16 =	sadd.s32 s16, s17  }
0x53: {  	s15 =	sshll.u32 s30, $0x12;
	s31 =	sshrl.u32 s18, $0x3;
	s16 =	sadd.s32 s29, s16  }
0x54: {  	s15 =	sor.u32 $0x100, s15;
	s16 =	sadd.s32 s31, s16  }
0x55: {  	[hbm4b:s16+s15] =	stream.strided.scatter [tilespmem:s19], [sflag:$0x2], $0x4000, s8, s15, $0x38;
	[tilespmem:$0x10000] =	vst v63  }
.LBB1_8:
0x56: {  	_ =	sfence.sel $0x180000  }
0x57: {  	s1 =	simm.s32 $0x1;
	[bflag:$0x0] =	sbarrier.arrive $0xFFFF  }
0x58: {  	s31 =	simm.s32 $0x2;
	[sflag:s1] =	ssyncpa.u1 $0x1  }
0x59: {  	[sflag:s31] =	ssyncpa.u1 $0x1  }
0x5a: {  	p0 =	sne.s32 s2, $0x0;
	_ =	strace $0x90000047  }
0x5b: {  	s0 =	sadd.s32 @!p0 $0x100000, s0;
	[bflag:$0x2] =	sbarrier.arrive $0xFFFF  }
0x5c: {  	[sflag:s0] =	ssyncadd.tile.s32 @!p0 $0x1;
	_ =	shalt  }
.Lfunc_end1:
_tile_overlayer_lowered:
.L_overlay_start_2:
0x5d: {  	(tag) =	ssettag $0x2  }
0x5e: {  	s0 =	rddreg [dreg:$0x0];
	s2 =	stileid.u32  }
0x5f: {  	s1 =	rddreg [dreg:$0x1];
	p0 =	sne.s32 s2, $0x0  }
0x60: {  	s3 =	rddreg [dreg:$0x2];
	[bflag:$0x3] =	sbarrier.arrive $0xFFFF;
	s2 =	simm.s32 @!p0 $0x1C01  }
0x61: {  	[timem:s3], [sflag:s2] =	dma.local @!p0 [hbm:s0], s1  }
0x62: {  	s0 =	simm.s32 @!p0 $0x1  }
0x63: {  	_ =	swait.ge @!p0 [sflag:s0], s1  }
0x64: {  	s1 =	ssub.s32 @!p0 $0x0, s1;
	[sflag:s0] =	ssyncset.done @!p0 $0x0  }
0x65: {  	[sflag:s0] =	ssyncadd.s32 @!p0 s1  }
0x66: {  	[bflag:$0x3] =	sbarrier.arrive $0xFFFF  }
0x67: {  	_ =	shalt  }

</sc_bundles>
